<compile_context>
chip_gen: v7x
topology: tpu7x:2x2x1
jax: 0.10.2.dev20260603
libtpu: 0.0.44.dev20260713+nightly
codegen_flags: <defaults>
</compile_context>

<pallas_src>
import functools

import jax
import jax.numpy as jnp
from jax import lax
from jax.experimental import pallas as pl
from jax.experimental.pallas import tpu as pltpu
from jax.experimental.pallas import tpu_sc as plsc

B = 4096
L = 200
D = 64
EPS = 1e-12

_info = plsc.get_sparse_core_info()
NC, NS, LANES = _info.num_cores, _info.num_subcores, _info.num_lanes
NW = NC * NS
N_TOK = B * L
PER_W = N_TOK // NW
SEQ_PER_W = PER_W // L
NV = D // 16
C0 = 128
C1 = L - C0


def _rsqrt16(v):
    i = plsc.bitcast(v, jnp.int32)
    magic = jnp.full((16,), 0x5F3759DF, jnp.int32)
    one = jnp.full((16,), 1, jnp.int32)
    y = plsc.bitcast(magic - lax.shift_right_logical(i, one), jnp.float32)
    half = v * 0.5
    y = y * (1.5 - half * y * y)
    y = y * (1.5 - half * y * y)
    return y


def _make_kernel():
    mesh = plsc.VectorSubcoreMesh(core_axis_name="c", subcore_axis_name="s")

    @functools.partial(
        pl.kernel,
        mesh=mesh,
        out_type=jax.ShapeDtypeStruct((N_TOK, D), jnp.float32),
        compiler_params=pltpu.CompilerParams(
            needs_layout_passes=False, use_tc_tiling_on_sc=False),
        scratch_types=[
            pltpu.VMEM((PER_W,), jnp.int32),
            pltpu.VMEM((L, D), jnp.float32),
            pltpu.VMEM((L, D), jnp.float32),
            pltpu.VMEM((L, D), jnp.float32),
            pltpu.VMEM((L, D), jnp.float32),
            pltpu.VMEM((L, D), jnp.float32),
            pltpu.VMEM((D,), jnp.float32),
            pltpu.VMEM((D,), jnp.float32),
            pltpu.SemaphoreType.DMA,
            pltpu.SemaphoreType.DMA,
            pltpu.SemaphoreType.DMA,
            pltpu.SemaphoreType.DMA,
        ],
    )
    def emb_kernel(ids_hbm, w_hbm, pe_hbm, g_hbm, b_hbm, out_hbm,
                   ids_v, pe_v, rin0, rin1, rout0, rout1, g_v, b_v,
                   gsem0, gsem1, ssem0, ssem1):
        cid = lax.axis_index("c")
        sid = lax.axis_index("s")
        wid = sid * NC + cid
        base = wid * PER_W

        pltpu.sync_copy(ids_hbm.at[pl.ds(base, PER_W)], ids_v)
        pltpu.sync_copy(pe_hbm, pe_v)
        pltpu.sync_copy(g_hbm, g_v)
        pltpu.sync_copy(b_hbm, b_v)

        rins = (rin0, rin1)
        routs = (rout0, rout1)
        gsems = (gsem0, gsem1)
        ssems = (ssem0, ssem1)
        gvs = [g_v[pl.ds(16 * i, 16)] for i in range(NV)]
        bvs = [b_v[pl.ds(16 * i, 16)] for i in range(NV)]
        inv_d = 1.0 / D

        def start_gather(g, bank):
            off = g * L
            pltpu.async_copy(
                w_hbm.at[ids_v.at[pl.ds(off, C0)]],
                rins[bank].at[pl.ds(0, C0)], gsems[bank])
            pltpu.async_copy(
                w_hbm.at[ids_v.at[pl.ds(off + C0, C1)]],
                rins[bank].at[pl.ds(C0, C1)], gsems[bank])

        def wait_gather(bank):
            pltpu.make_async_copy(
                w_hbm.at[ids_v.at[pl.ds(0, C0)]],
                rins[bank].at[pl.ds(0, C0)], gsems[bank]).wait()
            pltpu.make_async_copy(
                w_hbm.at[ids_v.at[pl.ds(C0, C1)]],
                rins[bank].at[pl.ds(C0, C1)], gsems[bank]).wait()

        def start_scatter(g, bank):
            pltpu.async_copy(
                routs[bank], out_hbm.at[pl.ds(base + g * L, L)], ssems[bank])

        def wait_scatter(bank):
            pltpu.make_async_copy(
                routs[bank], out_hbm.at[pl.ds(base, L)], ssems[bank]).wait()

        def compute_row(rin, rout, r):
            x = [rin[r, pl.ds(16 * i, 16)] + pe_v[r, pl.ds(16 * i, 16)]
                 for i in range(NV)]
            tot = jnp.sum((x[0] + x[1]) + (x[2] + x[3]))
            ss = jnp.sum((x[0] * x[0] + x[1] * x[1])
                         + (x[2] * x[2] + x[3] * x[3]))
            mean = tot * inv_d
            var = ss * inv_d - mean * mean
            rv = _rsqrt16(jnp.broadcast_to(var + EPS, (16,)))
            for i in range(NV):
                rout[r, pl.ds(16 * i, 16)] = (x[i] - mean) * rv * gvs[i] + bvs[i]

        def compute_seq(bank):
            rin = rins[bank]
            rout = routs[bank]

            def row_body(rr, c):
                compute_row(rin, rout, 2 * rr)
                compute_row(rin, rout, 2 * rr + 1)
                return c

            lax.fori_loop(0, L // 2, row_body, 0)

        start_gather(0, 0)
        start_gather(1, 1)

        def step(gg, carry):
            for bank in range(2):
                g = gg * 2 + bank
                wait_gather(bank)

                @pl.when(g >= 2)
                def _():
                    wait_scatter(bank)

                compute_seq(bank)
                start_scatter(g, bank)

                @pl.when(g + 2 < SEQ_PER_W)
                def _():
                    start_gather(g + 2, bank)
            return carry

        lax.fori_loop(0, SEQ_PER_W // 2, step, 0)

        wait_scatter(0)
        wait_scatter(1)

    return emb_kernel


_emb_kernel = _make_kernel()


@jax.jit
def kernel(input_ids, W_emb, pe, ln_gamma, ln_beta):
    ids_flat = input_ids.reshape(-1)
    pe_l = pe[:L]
    out = _emb_kernel(ids_flat, W_emb, pe_l, ln_gamma, ln_beta)
    return out.reshape(B, L, D)

# --- scband reference (transcript-rebuilt; emitter-appended) ---
"""Pipeline reference for scband-embeddings-17540646437213 (READ-ONLY COPY).

The authoritative reference and input builder live on the scoring server;
editing this copy changes nothing except your own understanding.
"""

import jax, jax.numpy as jnp
import numpy as np
import math

VOCAB = 1000000
D = 64
MAX_LEN = 256
B = 4096
L = 200
EPS = 1e-12


def _make_pe(max_len, d_model):
    position = np.arange(max_len, dtype=np.float32)[:, None]
    div_term = np.exp(np.arange(0, d_model, 2, dtype=np.float32) * -(math.log(10000.0) / d_model))
    pe = np.zeros((max_len, d_model), dtype=np.float32)
    pe[:, 0::2] = np.sin(position * div_term)
    pe[:, 1::2] = np.cos(position * div_term)
    return jnp.asarray(pe)


def setup_inputs(seed: int = 0) -> dict:
    key = jax.random.key(seed)
    k1, k2 = jax.random.split(key)
    input_ids = jax.random.randint(k1, (B, L), 0, VOCAB, dtype=jnp.int32)
    W_emb = jax.random.normal(k2, (VOCAB, D), dtype=jnp.float32) * 0.02
    # padding_idx = 0 row zeroed as in nn.Embedding(padding_idx=PAD=0)
    W_emb = W_emb.at[0].set(0.0)
    pe = _make_pe(MAX_LEN, D)
    ln_gamma = jnp.ones((D,), dtype=jnp.float32)
    ln_beta = jnp.zeros((D,), dtype=jnp.float32)
    return {"input_ids": input_ids, "W_emb": W_emb, "pe": pe, "ln_gamma": ln_gamma, "ln_beta": ln_beta}


def reference(input_ids, W_emb, pe, ln_gamma, ln_beta):
    # word embedding lookup
    emb = jnp.take(W_emb, input_ids, axis=0)  # [B, L, D]
    # sinusoidal positional embedding (non-trainable): pe[:, :x.size(1)]
    seq_len = input_ids.shape[1]
    emb = emb + pe[:seq_len][None, :, :]
    # LayerNorm (eval mode, dropout is identity)
    mean = jnp.mean(emb, axis=-1, keepdims=True)
    var = jnp.mean((emb - mean) ** 2, axis=-1, keepdims=True)
    out = (emb - mean) / jnp.sqrt(var + EPS) * ln_gamma + ln_beta
    return out

if __name__ == "__main__":
    import jax
    _d = setup_inputs()
    print(jax.jit(kernel)(*tuple(_d.values())))

</pallas_src>

<mosaic_0001>
#map = affine_map<(d0, d1) -> (0)>
#map1 = affine_map<(d0, d1) -> (0, 0)>
module attributes {stable_mosaic.version = 14 : i64} {
  func.func @emb_kernel(%arg0: i32, %arg1: i32, %arg2: memref<819200xi32, #tpu.memory_space<hbm>>, %arg3: memref<1000000x64xf32, #tpu.memory_space<hbm>>, %arg4: memref<200x64xf32, #tpu.memory_space<hbm>>, %arg5: memref<64xf32, #tpu.memory_space<hbm>>, %arg6: memref<64xf32, #tpu.memory_space<hbm>>, %arg7: memref<819200x64xf32, #tpu.memory_space<hbm>>, %arg8: memref<25600xi32, #tpu.memory_space<vmem>>, %arg9: memref<200x64xf32, #tpu.memory_space<vmem>>, %arg10: memref<200x64xf32, #tpu.memory_space<vmem>>, %arg11: memref<200x64xf32, #tpu.memory_space<vmem>>, %arg12: memref<200x64xf32, #tpu.memory_space<vmem>>, %arg13: memref<200x64xf32, #tpu.memory_space<vmem>>, %arg14: memref<64xf32, #tpu.memory_space<vmem>>, %arg15: memref<64xf32, #tpu.memory_space<vmem>>, %arg16: memref<!tpu.dma_semaphore, #tpu.memory_space<semaphore_mem>>, %arg17: memref<!tpu.dma_semaphore, #tpu.memory_space<semaphore_mem>>, %arg18: memref<!tpu.dma_semaphore, #tpu.memory_space<semaphore_mem>>, %arg19: memref<!tpu.dma_semaphore, #tpu.memory_space<semaphore_mem>>) attributes {dimension_semantics = [#tpu.dimension_semantics<core_parallel>, #tpu.dimension_semantics<subcore_parallel>], iteration_bounds = array<i64: 2, 16>, scalar_prefetch = 0 : i64, scratch_operands = 12 : i64, tpu.core_type = #tpu.core_type<sc_vector_subcore>, window_params = [{transform_indices = #map}, {transform_indices = #map1}, {transform_indices = #map1}, {transform_indices = #map}, {transform_indices = #map}, {transform_indices = #map1}]} {
    %mul3A = arith.constant 2 : i32
    %mul3A_0 = arith.muli %arg1, %mul3A : i32
    %add3A = arith.addi %mul3A_0, %arg0 : i32
    %mul3A_1 = arith.constant 25600 : i32
    %mul3A_2 = arith.muli %add3A, %mul3A_1 : i32
    "tpu.region"() ({
      %run_scoped3A = tpu.sem_alloc : memref<!tpu.dma_semaphore, #tpu.memory_space<semaphore_mem>>
      %dma_start3A_61 = tpu.memref_slice %arg2[%mul3A_2] : memref<819200xi32, #tpu.memory_space<hbm>> -> memref<25600xi32, #tpu.memory_space<hbm>>
      %dma_start3A_62 = tpu.memref_slice %arg2[%mul3A_2] : memref<819200xi32, #tpu.memory_space<hbm>> -> memref<25600xi32, #tpu.memory_space<hbm>>
      tpu.enqueue_dma source(%dma_start3A_62 : memref<25600xi32, #tpu.memory_space<hbm>>) target(%arg8 : memref<25600xi32, #tpu.memory_space<vmem>>) target_semaphore(%run_scoped3A : memref<!tpu.dma_semaphore, #tpu.memory_space<semaphore_mem>>)
      %dma_wait3A_63 = tpu.memref_slice %arg2[%mul3A_2] : memref<819200xi32, #tpu.memory_space<hbm>> -> memref<25600xi32, #tpu.memory_space<hbm>>
      %dma_wait3A_64 = tpu.memref_slice %arg2[%mul3A_2] : memref<819200xi32, #tpu.memory_space<hbm>> -> memref<25600xi32, #tpu.memory_space<hbm>>
      tpu.wait_dma2 semaphore(%run_scoped3A : memref<!tpu.dma_semaphore, #tpu.memory_space<semaphore_mem>>) src(%dma_wait3A_64 : memref<25600xi32, #tpu.memory_space<hbm>>) dst(%arg8 : memref<25600xi32, #tpu.memory_space<vmem>>)
      tpu.yield
    }) : () -> ()
    "tpu.region"() ({
      %run_scoped3A = tpu.sem_alloc : memref<!tpu.dma_semaphore, #tpu.memory_space<semaphore_mem>>
      tpu.enqueue_dma source(%arg4 : memref<200x64xf32, #tpu.memory_space<hbm>>) target(%arg9 : memref<200x64xf32, #tpu.memory_space<vmem>>) target_semaphore(%run_scoped3A : memref<!tpu.dma_semaphore, #tpu.memory_space<semaphore_mem>>)
      tpu.wait_dma2 semaphore(%run_scoped3A : memref<!tpu.dma_semaphore, #tpu.memory_space<semaphore_mem>>) src(%arg4 : memref<200x64xf32, #tpu.memory_space<hbm>>) dst(%arg9 : memref<200x64xf32, #tpu.memory_space<vmem>>)
      tpu.yield
    }) : () -> ()
    "tpu.region"() ({
      %run_scoped3A = tpu.sem_alloc : memref<!tpu.dma_semaphore, #tpu.memory_space<semaphore_mem>>
      tpu.enqueue_dma source(%arg5 : memref<64xf32, #tpu.memory_space<hbm>>) target(%arg14 : memref<64xf32, #tpu.memory_space<vmem>>) target_semaphore(%run_scoped3A : memref<!tpu.dma_semaphore, #tpu.memory_space<semaphore_mem>>)
      tpu.wait_dma2 semaphore(%run_scoped3A : memref<!tpu.dma_semaphore, #tpu.memory_space<semaphore_mem>>) src(%arg5 : memref<64xf32, #tpu.memory_space<hbm>>) dst(%arg14 : memref<64xf32, #tpu.memory_space<vmem>>)
      tpu.yield
    }) : () -> ()
    "tpu.region"() ({
      %run_scoped3A = tpu.sem_alloc : memref<!tpu.dma_semaphore, #tpu.memory_space<semaphore_mem>>
      tpu.enqueue_dma source(%arg6 : memref<64xf32, #tpu.memory_space<hbm>>) target(%arg15 : memref<64xf32, #tpu.memory_space<vmem>>) target_semaphore(%run_scoped3A : memref<!tpu.dma_semaphore, #tpu.memory_space<semaphore_mem>>)
      tpu.wait_dma2 semaphore(%run_scoped3A : memref<!tpu.dma_semaphore, #tpu.memory_space<semaphore_mem>>) src(%arg6 : memref<64xf32, #tpu.memory_space<hbm>>) dst(%arg15 : memref<64xf32, #tpu.memory_space<vmem>>)
      tpu.yield
    }) : () -> ()
    %get3A = arith.constant 0 : index
    %get3A_3 = tpu.vector_load %arg14[%get3A] {strides = array<i32>} : memref<64xf32, #tpu.memory_space<vmem>>, vector<16xf32>,
    %get3A_4 = arith.constant 16 : index
    %get3A_5 = tpu.vector_load %arg14[%get3A_4] {strides = array<i32>} : memref<64xf32, #tpu.memory_space<vmem>>, vector<16xf32>,
    %get3A_6 = arith.constant 32 : index
    %get3A_7 = tpu.vector_load %arg14[%get3A_6] {strides = array<i32>} : memref<64xf32, #tpu.memory_space<vmem>>, vector<16xf32>,
    %get3A_8 = arith.constant 48 : index
    %get3A_9 = tpu.vector_load %arg14[%get3A_8] {strides = array<i32>} : memref<64xf32, #tpu.memory_space<vmem>>, vector<16xf32>,
    %get3A_10 = arith.constant 0 : index
    %get3A_11 = tpu.vector_load %arg15[%get3A_10] {strides = array<i32>} : memref<64xf32, #tpu.memory_space<vmem>>, vector<16xf32>,
    %get3A_12 = arith.constant 16 : index
    %get3A_13 = tpu.vector_load %arg15[%get3A_12] {strides = array<i32>} : memref<64xf32, #tpu.memory_space<vmem>>, vector<16xf32>,
    %get3A_14 = arith.constant 32 : index
    %get3A_15 = tpu.vector_load %arg15[%get3A_14] {strides = array<i32>} : memref<64xf32, #tpu.memory_space<vmem>>, vector<16xf32>,
    %get3A_16 = arith.constant 48 : index
    %get3A_17 = tpu.vector_load %arg15[%get3A_16] {strides = array<i32>} : memref<64xf32, #tpu.memory_space<vmem>>, vector<16xf32>,
    %dma_start3A = arith.constant 0 : i32
    %dma_start3A_18 = arith.constant 0 : i32
    %dma_start3A_19 = tpu.memref_slice %arg10[%dma_start3A, %dma_start3A_18] : memref<200x64xf32, #tpu.memory_space<vmem>> -> memref<128x64xf32, #tpu.memory_space<vmem>>
    %dma_start3A_20 = arith.constant 0 : i32
    %dma_start3A_21 = tpu.memref_slice %arg8[%dma_start3A_20] : memref<25600xi32, #tpu.memory_space<vmem>> -> memref<128xi32, #tpu.memory_space<vmem>>
    %dma_start3A_22 = arith.constant 0 : i32
    %dma_start3A_23 = arith.constant 0 : i32
    %dma_start3A_24 = tpu.memref_slice %arg3[%dma_start3A_22, %dma_start3A_23] : memref<1000000x64xf32, #tpu.memory_space<hbm>> -> memref<1000000x64xf32, #tpu.memory_space<hbm>>
    tpu.enqueue_indirect_dma source(%dma_start3A_24 : memref<1000000x64xf32, #tpu.memory_space<hbm>>) target(%dma_start3A_19 : memref<128x64xf32, #tpu.memory_space<vmem>>) offsets(%dma_start3A_21 : memref<128xi32, #tpu.memory_space<vmem>>) semaphore(%arg16 : memref<!tpu.dma_semaphore, #tpu.memory_space<semaphore_mem>>)
    %dma_start3A_25 = arith.constant 128 : i32
    %dma_start3A_26 = arith.constant 0 : i32
    %dma_start3A_27 = tpu.memref_slice %arg10[%dma_start3A_25, %dma_start3A_26] : memref<200x64xf32, #tpu.memory_space<vmem>> -> memref<72x64xf32, #tpu.memory_space<vmem>>
    %dma_start3A_28 = arith.constant 128 : i32
    %dma_start3A_29 = tpu.memref_slice %arg8[%dma_start3A_28] : memref<25600xi32, #tpu.memory_space<vmem>> -> memref<72xi32, #tpu.memory_space<vmem>>
    %dma_start3A_30 = arith.constant 0 : i32
    %dma_start3A_31 = arith.constant 0 : i32
    %dma_start3A_32 = tpu.memref_slice %arg3[%dma_start3A_30, %dma_start3A_31] : memref<1000000x64xf32, #tpu.memory_space<hbm>> -> memref<1000000x64xf32, #tpu.memory_space<hbm>>
    tpu.enqueue_indirect_dma source(%dma_start3A_32 : memref<1000000x64xf32, #tpu.memory_space<hbm>>) target(%dma_start3A_27 : memref<72x64xf32, #tpu.memory_space<vmem>>) offsets(%dma_start3A_29 : memref<72xi32, #tpu.memory_space<vmem>>) semaphore(%arg16 : memref<!tpu.dma_semaphore, #tpu.memory_space<semaphore_mem>>)
    %dma_start3A_33 = arith.constant 0 : i32
    %dma_start3A_34 = arith.constant 0 : i32
    %dma_start3A_35 = tpu.memref_slice %arg11[%dma_start3A_33, %dma_start3A_34] : memref<200x64xf32, #tpu.memory_space<vmem>> -> memref<128x64xf32, #tpu.memory_space<vmem>>
    %dma_start3A_36 = arith.constant 200 : i32
    %dma_start3A_37 = tpu.memref_slice %arg8[%dma_start3A_36] : memref<25600xi32, #tpu.memory_space<vmem>> -> memref<128xi32, #tpu.memory_space<vmem>>
    %dma_start3A_38 = arith.constant 0 : i32
    %dma_start3A_39 = arith.constant 0 : i32
    %dma_start3A_40 = tpu.memref_slice %arg3[%dma_start3A_38, %dma_start3A_39] : memref<1000000x64xf32, #tpu.memory_space<hbm>> -> memref<1000000x64xf32, #tpu.memory_space<hbm>>
    tpu.enqueue_indirect_dma source(%dma_start3A_40 : memref<1000000x64xf32, #tpu.memory_space<hbm>>) target(%dma_start3A_35 : memref<128x64xf32, #tpu.memory_space<vmem>>) offsets(%dma_start3A_37 : memref<128xi32, #tpu.memory_space<vmem>>) semaphore(%arg17 : memref<!tpu.dma_semaphore, #tpu.memory_space<semaphore_mem>>)
    %dma_start3A_41 = arith.constant 128 : i32
    %dma_start3A_42 = arith.constant 0 : i32
    %dma_start3A_43 = tpu.memref_slice %arg11[%dma_start3A_41, %dma_start3A_42] : memref<200x64xf32, #tpu.memory_space<vmem>> -> memref<72x64xf32, #tpu.memory_space<vmem>>
    %dma_start3A_44 = arith.constant 328 : i32
    %dma_start3A_45 = tpu.memref_slice %arg8[%dma_start3A_44] : memref<25600xi32, #tpu.memory_space<vmem>> -> memref<72xi32, #tpu.memory_space<vmem>>
    %dma_start3A_46 = arith.constant 0 : i32
    %dma_start3A_47 = arith.constant 0 : i32
    %dma_start3A_48 = tpu.memref_slice %arg3[%dma_start3A_46, %dma_start3A_47] : memref<1000000x64xf32, #tpu.memory_space<hbm>> -> memref<1000000x64xf32, #tpu.memory_space<hbm>>
    tpu.enqueue_indirect_dma source(%dma_start3A_48 : memref<1000000x64xf32, #tpu.memory_space<hbm>>) target(%dma_start3A_43 : memref<72x64xf32, #tpu.memory_space<vmem>>) offsets(%dma_start3A_45 : memref<72xi32, #tpu.memory_space<vmem>>) semaphore(%arg17 : memref<!tpu.dma_semaphore, #tpu.memory_space<semaphore_mem>>)
    %scan3A = arith.constant 0 : i32
    %scan3A_49 = arith.constant 0 : i32
    %scan3A_50 = arith.constant 64 : i32
    %scan3A_51 = arith.addi %scan3A_49, %scan3A_50 : i32
    %scan3A_52 = arith.constant 1 : i32
    scf.for %scan3A_61 = %scan3A_49 to %scan3A_51 step %scan3A_52  : i32 {
      %mul3A_62 = arith.constant 2 : i32
      %mul3A_63 = arith.muli %scan3A_61, %mul3A_62 : i32
      %add3A_64 = arith.constant 0 : i32
      %add3A_65 = arith.addi %mul3A_63, %add3A_64 : i32
      %dma_wait3A_66 = arith.constant 0 : i32
      %dma_wait3A_67 = arith.constant 0 : i32
      %dma_wait3A_68 = tpu.memref_slice %arg10[%dma_wait3A_66, %dma_wait3A_67] : memref<200x64xf32, #tpu.memory_space<vmem>> -> memref<128x64xf32, #tpu.memory_space<vmem>>
      %dma_wait3A_69 = arith.constant 0 : i32
      %dma_wait3A_70 = tpu.memref_slice %arg8[%dma_wait3A_69] : memref<25600xi32, #tpu.memory_space<vmem>> -> memref<128xi32, #tpu.memory_space<vmem>>
      %dma_wait3A_71 = arith.constant 0 : i32
      %dma_wait3A_72 = arith.constant 0 : i32
      %dma_wait3A_73 = tpu.memref_slice %arg3[%dma_wait3A_71, %dma_wait3A_72] : memref<1000000x64xf32, #tpu.memory_space<hbm>> -> memref<1000000x64xf32, #tpu.memory_space<hbm>>
      tpu.wait_indirect_dma semaphore(%arg16 : memref<!tpu.dma_semaphore, #tpu.memory_space<semaphore_mem>>) src(%dma_wait3A_73 : memref<1000000x64xf32, #tpu.memory_space<hbm>>) dst(%dma_wait3A_68 : memref<128x64xf32, #tpu.memory_space<vmem>>)
      %dma_wait3A_74 = arith.constant 128 : i32
      %dma_wait3A_75 = arith.constant 0 : i32
      %dma_wait3A_76 = tpu.memref_slice %arg10[%dma_wait3A_74, %dma_wait3A_75] : memref<200x64xf32, #tpu.memory_space<vmem>> -> memref<72x64xf32, #tpu.memory_space<vmem>>
      %dma_wait3A_77 = arith.constant 128 : i32
      %dma_wait3A_78 = tpu.memref_slice %arg8[%dma_wait3A_77] : memref<25600xi32, #tpu.memory_space<vmem>> -> memref<72xi32, #tpu.memory_space<vmem>>
      %dma_wait3A_79 = arith.constant 0 : i32
      %dma_wait3A_80 = arith.constant 0 : i32
      %dma_wait3A_81 = tpu.memref_slice %arg3[%dma_wait3A_79, %dma_wait3A_80] : memref<1000000x64xf32, #tpu.memory_space<hbm>> -> memref<1000000x64xf32, #tpu.memory_space<hbm>>
      tpu.wait_indirect_dma semaphore(%arg16 : memref<!tpu.dma_semaphore, #tpu.memory_space<semaphore_mem>>) src(%dma_wait3A_81 : memref<1000000x64xf32, #tpu.memory_space<hbm>>) dst(%dma_wait3A_76 : memref<72x64xf32, #tpu.memory_space<vmem>>)
      %ge3A = arith.constant 2 : i32
      %ge3A_82 = arith.cmpi sge, %add3A_65, %ge3A : i32
      %convert_element_type3A = arith.extui %ge3A_82 : i1 to i32
      %cond3A = arith.constant 0 : i32
      %cond3A_83 = arith.cmpi ne, %convert_element_type3A, %cond3A : i32
      scf.if %cond3A_83 {
        %dma_wait3A_148 = arith.constant 0 : i32
        %dma_wait3A_149 = tpu.memref_slice %arg7[%mul3A_2, %dma_wait3A_148] : memref<819200x64xf32, #tpu.memory_space<hbm>> -> memref<200x64xf32, #tpu.memory_space<hbm>>
        %dma_wait3A_150 = arith.constant 0 : i32
        %dma_wait3A_151 = tpu.memref_slice %arg7[%mul3A_2, %dma_wait3A_150] : memref<819200x64xf32, #tpu.memory_space<hbm>> -> memref<200x64xf32, #tpu.memory_space<hbm>>
        tpu.wait_dma2 semaphore(%arg18 : memref<!tpu.dma_semaphore, #tpu.memory_space<semaphore_mem>>) src(%arg12 : memref<200x64xf32, #tpu.memory_space<vmem>>) dst(%dma_wait3A_151 : memref<200x64xf32, #tpu.memory_space<hbm>>)
      } else {
      }
      %scan3A_84 = arith.constant 0 : i32
      %scan3A_85 = arith.constant 0 : i32
      %scan3A_86 = arith.constant 100 : i32
      %scan3A_87 = arith.addi %scan3A_85, %scan3A_86 : i32
      %scan3A_88 = arith.constant 1 : i32
      scf.for %scan3A_148 = %scan3A_85 to %scan3A_87 step %scan3A_88  : i32 {
        %mul3A_149 = arith.constant 2 : i32
        %mul3A_150 = arith.muli %mul3A_149, %scan3A_148 : i32
        %get3A_151 = arith.index_cast %mul3A_150 : i32 to index
        %get3A_152 = arith.constant 0 : index
        %get3A_153 = tpu.vector_load %arg10[%get3A_151, %get3A_152] {strides = array<i32>} : memref<200x64xf32, #tpu.memory_space<vmem>>, vector<16xf32>,
        %get3A_154 = arith.index_cast %mul3A_150 : i32 to index
        %get3A_155 = arith.constant 0 : index
        %get3A_156 = tpu.vector_load %arg9[%get3A_154, %get3A_155] {strides = array<i32>} : memref<200x64xf32, #tpu.memory_space<vmem>>, vector<16xf32>,
        %add3A_157 = arith.addf %get3A_153, %get3A_156 : vector<16xf32>
        %get3A_158 = arith.index_cast %mul3A_150 : i32 to index
        %get3A_159 = arith.constant 16 : index
        %get3A_160 = tpu.vector_load %arg10[%get3A_158, %get3A_159] {strides = array<i32>} : memref<200x64xf32, #tpu.memory_space<vmem>>, vector<16xf32>,
        %get3A_161 = arith.index_cast %mul3A_150 : i32 to index
        %get3A_162 = arith.constant 16 : index
        %get3A_163 = tpu.vector_load %arg9[%get3A_161, %get3A_162] {strides = array<i32>} : memref<200x64xf32, #tpu.memory_space<vmem>>, vector<16xf32>,
        %add3A_164 = arith.addf %get3A_160, %get3A_163 : vector<16xf32>
        %get3A_165 = arith.index_cast %mul3A_150 : i32 to index
        %get3A_166 = arith.constant 32 : index
        %get3A_167 = tpu.vector_load %arg10[%get3A_165, %get3A_166] {strides = array<i32>} : memref<200x64xf32, #tpu.memory_space<vmem>>, vector<16xf32>,
        %get3A_168 = arith.index_cast %mul3A_150 : i32 to index
        %get3A_169 = arith.constant 32 : index
        %get3A_170 = tpu.vector_load %arg9[%get3A_168, %get3A_169] {strides = array<i32>} : memref<200x64xf32, #tpu.memory_space<vmem>>, vector<16xf32>,
        %add3A_171 = arith.addf %get3A_167, %get3A_170 : vector<16xf32>
        %get3A_172 = arith.index_cast %mul3A_150 : i32 to index
        %get3A_173 = arith.constant 48 : index
        %get3A_174 = tpu.vector_load %arg10[%get3A_172, %get3A_173] {strides = array<i32>} : memref<200x64xf32, #tpu.memory_space<vmem>>, vector<16xf32>,
        %get3A_175 = arith.index_cast %mul3A_150 : i32 to index
        %get3A_176 = arith.constant 48 : index
        %get3A_177 = tpu.vector_load %arg9[%get3A_175, %get3A_176] {strides = array<i32>} : memref<200x64xf32, #tpu.memory_space<vmem>>, vector<16xf32>,
        %add3A_178 = arith.addf %get3A_174, %get3A_177 : vector<16xf32>
        %add3A_179 = arith.addf %add3A_157, %add3A_164 : vector<16xf32>
        %add3A_180 = arith.addf %add3A_171, %add3A_178 : vector<16xf32>
        %add3A_181 = arith.addf %add3A_179, %add3A_180 : vector<16xf32>
        %reduce_sum3A = arith.constant true
        %reduce_sum3A_182 = vector.broadcast %reduce_sum3A : i1 to vector<16xi1>
        %reduce_sum3A_183 = tpu.scan <sum>, %add3A_181 masked %reduce_sum3A_182 : vector<16xf32>, vector<16xi1> -> vector<16xf32>
        %reduce_sum3A_184 = vector.extract %reduce_sum3A_183[15] : f32 from vector<16xf32>
        %mul3A_185 = arith.mulf %add3A_157, %add3A_157 : vector<16xf32>
        %mul3A_186 = arith.mulf %add3A_164, %add3A_164 : vector<16xf32>
        %add3A_187 = arith.addf %mul3A_185, %mul3A_186 : vector<16xf32>
        %mul3A_188 = arith.mulf %add3A_171, %add3A_171 : vector<16xf32>
        %mul3A_189 = arith.mulf %add3A_178, %add3A_178 : vector<16xf32>
        %add3A_190 = arith.addf %mul3A_188, %mul3A_189 : vector<16xf32>
        %add3A_191 = arith.addf %add3A_187, %add3A_190 : vector<16xf32>
        %reduce_sum3A_192 = arith.constant true
        %reduce_sum3A_193 = vector.broadcast %reduce_sum3A_192 : i1 to vector<16xi1>
        %reduce_sum3A_194 = tpu.scan <sum>, %add3A_191 masked %reduce_sum3A_193 : vector<16xf32>, vector<16xi1> -> vector<16xf32>
        %reduce_sum3A_195 = vector.extract %reduce_sum3A_194[15] : f32 from vector<16xf32>
        %mul3A_196 = arith.constant 1.562500e-02 : f32
        %mul3A_197 = arith.mulf %reduce_sum3A_184, %mul3A_196 : f32
        %mul3A_198 = arith.constant 1.562500e-02 : f32
        %mul3A_199 = arith.mulf %reduce_sum3A_195, %mul3A_198 : f32
        %mul3A_200 = arith.mulf %mul3A_197, %mul3A_197 : f32
        %sub3A = arith.subf %mul3A_199, %mul3A_200 : f32
        %add3A_201 = arith.constant 9.99999996E-13 : f32
        %add3A_202 = arith.addf %sub3A, %add3A_201 : f32
        %broadcast_in_dim3A = vector.broadcast %add3A_202 : f32 to vector<16xf32>
        %bitcast3A = vector.bitcast %broadcast_in_dim3A : vector<16xf32> to vector<16xi32>
        %broadcast_in_dim3A_203 = arith.constant 1597463007 : i32
        %broadcast_in_dim3A_204 = vector.broadcast %broadcast_in_dim3A_203 : i32 to vector<16xi32>
        %broadcast_in_dim3A_205 = arith.constant 1 : i32
        %broadcast_in_dim3A_206 = vector.broadcast %broadcast_in_dim3A_205 : i32 to vector<16xi32>
        %shift_right_logical3A = arith.shrui %bitcast3A, %broadcast_in_dim3A_206 : vector<16xi32>
        %sub3A_207 = arith.subi %broadcast_in_dim3A_204, %shift_right_logical3A : vector<16xi32>
        %bitcast3A_208 = vector.bitcast %sub3A_207 : vector<16xi32> to vector<16xf32>
        %mul3A_209 = arith.constant 5.000000e-01 : f32
        %mul3A_210 = vector.broadcast %mul3A_209 : f32 to vector<16xf32>
        %mul3A_211 = arith.mulf %broadcast_in_dim3A, %mul3A_210 : vector<16xf32>
        %mul3A_212 = arith.mulf %mul3A_211, %bitcast3A_208 : vector<16xf32>
        %mul3A_213 = arith.mulf %mul3A_212, %bitcast3A_208 : vector<16xf32>
        %sub3A_214 = arith.constant 1.500000e+00 : f32
        %sub3A_215 = vector.broadcast %sub3A_214 : f32 to vector<16xf32>
        %sub3A_216 = arith.subf %sub3A_215, %mul3A_213 : vector<16xf32>
        %mul3A_217 = arith.mulf %bitcast3A_208, %sub3A_216 : vector<16xf32>
        %mul3A_218 = arith.mulf %mul3A_211, %mul3A_217 : vector<16xf32>
        %mul3A_219 = arith.mulf %mul3A_218, %mul3A_217 : vector<16xf32>
        %sub3A_220 = arith.constant 1.500000e+00 : f32
        %sub3A_221 = vector.broadcast %sub3A_220 : f32 to vector<16xf32>
        %sub3A_222 = arith.subf %sub3A_221, %mul3A_219 : vector<16xf32>
        %mul3A_223 = arith.mulf %mul3A_217, %sub3A_222 : vector<16xf32>
        %sub3A_224 = vector.broadcast %mul3A_197 : f32 to vector<16xf32>
        %sub3A_225 = arith.subf %add3A_157, %sub3A_224 : vector<16xf32>
        %mul3A_226 = arith.mulf %sub3A_225, %mul3A_223 : vector<16xf32>
        %mul3A_227 = arith.mulf %mul3A_226, %get3A_3 : vector<16xf32>
        %add3A_228 = arith.addf %mul3A_227, %get3A_11 : vector<16xf32>
        %swap3A = arith.index_cast %mul3A_150 : i32 to index
        %swap3A_229 = arith.constant 0 : index
        %swap3A_230 = tpu.vector_load %arg12[%swap3A, %swap3A_229] {strides = array<i32>} : memref<200x64xf32, #tpu.memory_space<vmem>>, vector<16xf32>,
        tpu.vector_store %arg12[%swap3A, %swap3A_229], %add3A_228 {strides = array<i32>} : memref<200x64xf32, #tpu.memory_space<vmem>>, vector<16xf32>,
        %sub3A_231 = vector.broadcast %mul3A_197 : f32 to vector<16xf32>
        %sub3A_232 = arith.subf %add3A_164, %sub3A_231 : vector<16xf32>
        %mul3A_233 = arith.mulf %sub3A_232, %mul3A_223 : vector<16xf32>
        %mul3A_234 = arith.mulf %mul3A_233, %get3A_5 : vector<16xf32>
        %add3A_235 = arith.addf %mul3A_234, %get3A_13 : vector<16xf32>
        %swap3A_236 = arith.index_cast %mul3A_150 : i32 to index
        %swap3A_237 = arith.constant 16 : index
        %swap3A_238 = tpu.vector_load %arg12[%swap3A_236, %swap3A_237] {strides = array<i32>} : memref<200x64xf32, #tpu.memory_space<vmem>>, vector<16xf32>,
        tpu.vector_store %arg12[%swap3A_236, %swap3A_237], %add3A_235 {strides = array<i32>} : memref<200x64xf32, #tpu.memory_space<vmem>>, vector<16xf32>,
        %sub3A_239 = vector.broadcast %mul3A_197 : f32 to vector<16xf32>
        %sub3A_240 = arith.subf %add3A_171, %sub3A_239 : vector<16xf32>
        %mul3A_241 = arith.mulf %sub3A_240, %mul3A_223 : vector<16xf32>
        %mul3A_242 = arith.mulf %mul3A_241, %get3A_7 : vector<16xf32>
        %add3A_243 = arith.addf %mul3A_242, %get3A_15 : vector<16xf32>
        %swap3A_244 = arith.index_cast %mul3A_150 : i32 to index
        %swap3A_245 = arith.constant 32 : index
        %swap3A_246 = tpu.vector_load %arg12[%swap3A_244, %swap3A_245] {strides = array<i32>} : memref<200x64xf32, #tpu.memory_space<vmem>>, vector<16xf32>,
        tpu.vector_store %arg12[%swap3A_244, %swap3A_245], %add3A_243 {strides = array<i32>} : memref<200x64xf32, #tpu.memory_space<vmem>>, vector<16xf32>,
        %sub3A_247 = vector.broadcast %mul3A_197 : f32 to vector<16xf32>
        %sub3A_248 = arith.subf %add3A_178, %sub3A_247 : vector<16xf32>
        %mul3A_249 = arith.mulf %sub3A_248, %mul3A_223 : vector<16xf32>
        %mul3A_250 = arith.mulf %mul3A_249, %get3A_9 : vector<16xf32>
        %add3A_251 = arith.addf %mul3A_250, %get3A_17 : vector<16xf32>
        %swap3A_252 = arith.index_cast %mul3A_150 : i32 to index
        %swap3A_253 = arith.constant 48 : index
        %swap3A_254 = tpu.vector_load %arg12[%swap3A_252, %swap3A_253] {strides = array<i32>} : memref<200x64xf32, #tpu.memory_space<vmem>>, vector<16xf32>,
        tpu.vector_store %arg12[%swap3A_252, %swap3A_253], %add3A_251 {strides = array<i32>} : memref<200x64xf32, #tpu.memory_space<vmem>>, vector<16xf32>,
        %mul3A_255 = arith.constant 2 : i32
        %mul3A_256 = arith.muli %mul3A_255, %scan3A_148 : i32
        %add3A_257 = arith.constant 1 : i32
        %add3A_258 = arith.addi %mul3A_256, %add3A_257 : i32
        %get3A_259 = arith.index_cast %add3A_258 : i32 to index
        %get3A_260 = arith.constant 0 : index
        %get3A_261 = tpu.vector_load %arg10[%get3A_259, %get3A_260] {strides = array<i32>} : memref<200x64xf32, #tpu.memory_space<vmem>>, vector<16xf32>,
        %get3A_262 = arith.index_cast %add3A_258 : i32 to index
        %get3A_263 = arith.constant 0 : index
        %get3A_264 = tpu.vector_load %arg9[%get3A_262, %get3A_263] {strides = array<i32>} : memref<200x64xf32, #tpu.memory_space<vmem>>, vector<16xf32>,
        %add3A_265 = arith.addf %get3A_261, %get3A_264 : vector<16xf32>
        %get3A_266 = arith.index_cast %add3A_258 : i32 to index
        %get3A_267 = arith.constant 16 : index
        %get3A_268 = tpu.vector_load %arg10[%get3A_266, %get3A_267] {strides = array<i32>} : memref<200x64xf32, #tpu.memory_space<vmem>>, vector<16xf32>,
        %get3A_269 = arith.index_cast %add3A_258 : i32 to index
        %get3A_270 = arith.constant 16 : index
        %get3A_271 = tpu.vector_load %arg9[%get3A_269, %get3A_270] {strides = array<i32>} : memref<200x64xf32, #tpu.memory_space<vmem>>, vector<16xf32>,
        %add3A_272 = arith.addf %get3A_268, %get3A_271 : vector<16xf32>
        %get3A_273 = arith.index_cast %add3A_258 : i32 to index
        %get3A_274 = arith.constant 32 : index
        %get3A_275 = tpu.vector_load %arg10[%get3A_273, %get3A_274] {strides = array<i32>} : memref<200x64xf32, #tpu.memory_space<vmem>>, vector<16xf32>,
        %get3A_276 = arith.index_cast %add3A_258 : i32 to index
        %get3A_277 = arith.constant 32 : index
        %get3A_278 = tpu.vector_load %arg9[%get3A_276, %get3A_277] {strides = array<i32>} : memref<200x64xf32, #tpu.memory_space<vmem>>, vector<16xf32>,
        %add3A_279 = arith.addf %get3A_275, %get3A_278 : vector<16xf32>
        %get3A_280 = arith.index_cast %add3A_258 : i32 to index
        %get3A_281 = arith.constant 48 : index
        %get3A_282 = tpu.vector_load %arg10[%get3A_280, %get3A_281] {strides = array<i32>} : memref<200x64xf32, #tpu.memory_space<vmem>>, vector<16xf32>,
        %get3A_283 = arith.index_cast %add3A_258 : i32 to index
        %get3A_284 = arith.constant 48 : index
        %get3A_285 = tpu.vector_load %arg9[%get3A_283, %get3A_284] {strides = array<i32>} : memref<200x64xf32, #tpu.memory_space<vmem>>, vector<16xf32>,
        %add3A_286 = arith.addf %get3A_282, %get3A_285 : vector<16xf32>
        %add3A_287 = arith.addf %add3A_265, %add3A_272 : vector<16xf32>
        %add3A_288 = arith.addf %add3A_279, %add3A_286 : vector<16xf32>
        %add3A_289 = arith.addf %add3A_287, %add3A_288 : vector<16xf32>
        %reduce_sum3A_290 = arith.constant true
        %reduce_sum3A_291 = vector.broadcast %reduce_sum3A_290 : i1 to vector<16xi1>
        %reduce_sum3A_292 = tpu.scan <sum>, %add3A_289 masked %reduce_sum3A_291 : vector<16xf32>, vector<16xi1> -> vector<16xf32>
        %reduce_sum3A_293 = vector.extract %reduce_sum3A_292[15] : f32 from vector<16xf32>
        %mul3A_294 = arith.mulf %add3A_265, %add3A_265 : vector<16xf32>
        %mul3A_295 = arith.mulf %add3A_272, %add3A_272 : vector<16xf32>
        %add3A_296 = arith.addf %mul3A_294, %mul3A_295 : vector<16xf32>
        %mul3A_297 = arith.mulf %add3A_279, %add3A_279 : vector<16xf32>
        %mul3A_298 = arith.mulf %add3A_286, %add3A_286 : vector<16xf32>
        %add3A_299 = arith.addf %mul3A_297, %mul3A_298 : vector<16xf32>
        %add3A_300 = arith.addf %add3A_296, %add3A_299 : vector<16xf32>
        %reduce_sum3A_301 = arith.constant true
        %reduce_sum3A_302 = vector.broadcast %reduce_sum3A_301 : i1 to vector<16xi1>
        %reduce_sum3A_303 = tpu.scan <sum>, %add3A_300 masked %reduce_sum3A_302 : vector<16xf32>, vector<16xi1> -> vector<16xf32>
        %reduce_sum3A_304 = vector.extract %reduce_sum3A_303[15] : f32 from vector<16xf32>
        %mul3A_305 = arith.constant 1.562500e-02 : f32
        %mul3A_306 = arith.mulf %reduce_sum3A_293, %mul3A_305 : f32
        %mul3A_307 = arith.constant 1.562500e-02 : f32
        %mul3A_308 = arith.mulf %reduce_sum3A_304, %mul3A_307 : f32
        %mul3A_309 = arith.mulf %mul3A_306, %mul3A_306 : f32
        %sub3A_310 = arith.subf %mul3A_308, %mul3A_309 : f32
        %add3A_311 = arith.constant 9.99999996E-13 : f32
        %add3A_312 = arith.addf %sub3A_310, %add3A_311 : f32
        %broadcast_in_dim3A_313 = vector.broadcast %add3A_312 : f32 to vector<16xf32>
        %bitcast3A_314 = vector.bitcast %broadcast_in_dim3A_313 : vector<16xf32> to vector<16xi32>
        %broadcast_in_dim3A_315 = arith.constant 1597463007 : i32
        %broadcast_in_dim3A_316 = vector.broadcast %broadcast_in_dim3A_315 : i32 to vector<16xi32>
        %broadcast_in_dim3A_317 = arith.constant 1 : i32
        %broadcast_in_dim3A_318 = vector.broadcast %broadcast_in_dim3A_317 : i32 to vector<16xi32>
        %shift_right_logical3A_319 = arith.shrui %bitcast3A_314, %broadcast_in_dim3A_318 : vector<16xi32>
        %sub3A_320 = arith.subi %broadcast_in_dim3A_316, %shift_right_logical3A_319 : vector<16xi32>
        %bitcast3A_321 = vector.bitcast %sub3A_320 : vector<16xi32> to vector<16xf32>
        %mul3A_322 = arith.constant 5.000000e-01 : f32
        %mul3A_323 = vector.broadcast %mul3A_322 : f32 to vector<16xf32>
        %mul3A_324 = arith.mulf %broadcast_in_dim3A_313, %mul3A_323 : vector<16xf32>
        %mul3A_325 = arith.mulf %mul3A_324, %bitcast3A_321 : vector<16xf32>
        %mul3A_326 = arith.mulf %mul3A_325, %bitcast3A_321 : vector<16xf32>
        %sub3A_327 = arith.constant 1.500000e+00 : f32
        %sub3A_328 = vector.broadcast %sub3A_327 : f32 to vector<16xf32>
        %sub3A_329 = arith.subf %sub3A_328, %mul3A_326 : vector<16xf32>
        %mul3A_330 = arith.mulf %bitcast3A_321, %sub3A_329 : vector<16xf32>
        %mul3A_331 = arith.mulf %mul3A_324, %mul3A_330 : vector<16xf32>
        %mul3A_332 = arith.mulf %mul3A_331, %mul3A_330 : vector<16xf32>
        %sub3A_333 = arith.constant 1.500000e+00 : f32
        %sub3A_334 = vector.broadcast %sub3A_333 : f32 to vector<16xf32>
        %sub3A_335 = arith.subf %sub3A_334, %mul3A_332 : vector<16xf32>
        %mul3A_336 = arith.mulf %mul3A_330, %sub3A_335 : vector<16xf32>
        %sub3A_337 = vector.broadcast %mul3A_306 : f32 to vector<16xf32>
        %sub3A_338 = arith.subf %add3A_265, %sub3A_337 : vector<16xf32>
        %mul3A_339 = arith.mulf %sub3A_338, %mul3A_336 : vector<16xf32>
        %mul3A_340 = arith.mulf %mul3A_339, %get3A_3 : vector<16xf32>
        %add3A_341 = arith.addf %mul3A_340, %get3A_11 : vector<16xf32>
        %swap3A_342 = arith.index_cast %add3A_258 : i32 to index
        %swap3A_343 = arith.constant 0 : index
        %swap3A_344 = tpu.vector_load %arg12[%swap3A_342, %swap3A_343] {strides = array<i32>} : memref<200x64xf32, #tpu.memory_space<vmem>>, vector<16xf32>,
        tpu.vector_store %arg12[%swap3A_342, %swap3A_343], %add3A_341 {strides = array<i32>} : memref<200x64xf32, #tpu.memory_space<vmem>>, vector<16xf32>,
        %sub3A_345 = vector.broadcast %mul3A_306 : f32 to vector<16xf32>
        %sub3A_346 = arith.subf %add3A_272, %sub3A_345 : vector<16xf32>
        %mul3A_347 = arith.mulf %sub3A_346, %mul3A_336 : vector<16xf32>
        %mul3A_348 = arith.mulf %mul3A_347, %get3A_5 : vector<16xf32>
        %add3A_349 = arith.addf %mul3A_348, %get3A_13 : vector<16xf32>
        %swap3A_350 = arith.index_cast %add3A_258 : i32 to index
        %swap3A_351 = arith.constant 16 : index
        %swap3A_352 = tpu.vector_load %arg12[%swap3A_350, %swap3A_351] {strides = array<i32>} : memref<200x64xf32, #tpu.memory_space<vmem>>, vector<16xf32>,
        tpu.vector_store %arg12[%swap3A_350, %swap3A_351], %add3A_349 {strides = array<i32>} : memref<200x64xf32, #tpu.memory_space<vmem>>, vector<16xf32>,
        %sub3A_353 = vector.broadcast %mul3A_306 : f32 to vector<16xf32>
        %sub3A_354 = arith.subf %add3A_279, %sub3A_353 : vector<16xf32>
        %mul3A_355 = arith.mulf %sub3A_354, %mul3A_336 : vector<16xf32>
        %mul3A_356 = arith.mulf %mul3A_355, %get3A_7 : vector<16xf32>
        %add3A_357 = arith.addf %mul3A_356, %get3A_15 : vector<16xf32>
        %swap3A_358 = arith.index_cast %add3A_258 : i32 to index
        %swap3A_359 = arith.constant 32 : index
        %swap3A_360 = tpu.vector_load %arg12[%swap3A_358, %swap3A_359] {strides = array<i32>} : memref<200x64xf32, #tpu.memory_space<vmem>>, vector<16xf32>,
        tpu.vector_store %arg12[%swap3A_358, %swap3A_359], %add3A_357 {strides = array<i32>} : memref<200x64xf32, #tpu.memory_space<vmem>>, vector<16xf32>,
        %sub3A_361 = vector.broadcast %mul3A_306 : f32 to vector<16xf32>
        %sub3A_362 = arith.subf %add3A_286, %sub3A_361 : vector<16xf32>
        %mul3A_363 = arith.mulf %sub3A_362, %mul3A_336 : vector<16xf32>
        %mul3A_364 = arith.mulf %mul3A_363, %get3A_9 : vector<16xf32>
        %add3A_365 = arith.addf %mul3A_364, %get3A_17 : vector<16xf32>
        %swap3A_366 = arith.index_cast %add3A_258 : i32 to index
        %swap3A_367 = arith.constant 48 : index
        %swap3A_368 = tpu.vector_load %arg12[%swap3A_366, %swap3A_367] {strides = array<i32>} : memref<200x64xf32, #tpu.memory_space<vmem>>, vector<16xf32>,
        tpu.vector_store %arg12[%swap3A_366, %swap3A_367], %add3A_365 {strides = array<i32>} : memref<200x64xf32, #tpu.memory_space<vmem>>, vector<16xf32>,
      }
      %scan3A_89 = arith.constant 100 : i32
      %mul3A_90 = arith.constant 200 : i32
      %mul3A_91 = arith.muli %add3A_65, %mul3A_90 : i32
      %add3A_92 = arith.addi %mul3A_2, %mul3A_91 : i32
      %dma_start3A_93 = arith.constant 0 : i32
      %dma_start3A_94 = tpu.memref_slice %arg7[%add3A_92, %dma_start3A_93] : memref<819200x64xf32, #tpu.memory_space<hbm>> -> memref<200x64xf32, #tpu.memory_space<hbm>>
      %dma_start3A_95 = arith.constant 0 : i32
      %dma_start3A_96 = tpu.memref_slice %arg7[%add3A_92, %dma_start3A_95] : memref<819200x64xf32, #tpu.memory_space<hbm>> -> memref<200x64xf32, #tpu.memory_space<hbm>>
      tpu.enqueue_dma source(%arg12 : memref<200x64xf32, #tpu.memory_space<vmem>>) target(%dma_start3A_96 : memref<200x64xf32, #tpu.memory_space<hbm>>) target_semaphore(%arg18 : memref<!tpu.dma_semaphore, #tpu.memory_space<semaphore_mem>>)
      %add3A_97 = arith.constant 2 : i32
      %add3A_98 = arith.addi %add3A_65, %add3A_97 : i32
      %lt3A = arith.constant 128 : i32
      %lt3A_99 = arith.cmpi slt, %add3A_98, %lt3A : i32
      %convert_element_type3A_100 = arith.extui %lt3A_99 : i1 to i32
      %cond3A_101 = arith.constant 0 : i32
      %cond3A_102 = arith.cmpi ne, %convert_element_type3A_100, %cond3A_101 : i32
      scf.if %cond3A_102 {
        %add3A_148 = arith.constant 2 : i32
        %add3A_149 = arith.addi %add3A_65, %add3A_148 : i32
        %mul3A_150 = arith.constant 200 : i32
        %mul3A_151 = arith.muli %add3A_149, %mul3A_150 : i32
        %dma_start3A_152 = arith.constant 0 : i32
        %dma_start3A_153 = arith.constant 0 : i32
        %dma_start3A_154 = tpu.memref_slice %arg10[%dma_start3A_152, %dma_start3A_153] : memref<200x64xf32, #tpu.memory_space<vmem>> -> memref<128x64xf32, #tpu.memory_space<vmem>>
        %dma_start3A_155 = tpu.memref_slice %arg8[%mul3A_151] : memref<25600xi32, #tpu.memory_space<vmem>> -> memref<128xi32, #tpu.memory_space<vmem>>
        %dma_start3A_156 = arith.constant 0 : i32
        %dma_start3A_157 = arith.constant 0 : i32
        %dma_start3A_158 = tpu.memref_slice %arg3[%dma_start3A_156, %dma_start3A_157] : memref<1000000x64xf32, #tpu.memory_space<hbm>> -> memref<1000000x64xf32, #tpu.memory_space<hbm>>
        tpu.enqueue_indirect_dma source(%dma_start3A_158 : memref<1000000x64xf32, #tpu.memory_space<hbm>>) target(%dma_start3A_154 : memref<128x64xf32, #tpu.memory_space<vmem>>) offsets(%dma_start3A_155 : memref<128xi32, #tpu.memory_space<vmem>>) semaphore(%arg16 : memref<!tpu.dma_semaphore, #tpu.memory_space<semaphore_mem>>)
        %add3A_159 = arith.constant 128 : i32
        %add3A_160 = arith.addi %mul3A_151, %add3A_159 : i32
        %dma_start3A_161 = arith.constant 128 : i32
        %dma_start3A_162 = arith.constant 0 : i32
        %dma_start3A_163 = tpu.memref_slice %arg10[%dma_start3A_161, %dma_start3A_162] : memref<200x64xf32, #tpu.memory_space<vmem>> -> memref<72x64xf32, #tpu.memory_space<vmem>>
        %dma_start3A_164 = tpu.memref_slice %arg8[%add3A_160] : memref<25600xi32, #tpu.memory_space<vmem>> -> memref<72xi32, #tpu.memory_space<vmem>>
        %dma_start3A_165 = arith.constant 0 : i32
        %dma_start3A_166 = arith.constant 0 : i32
        %dma_start3A_167 = tpu.memref_slice %arg3[%dma_start3A_165, %dma_start3A_166] : memref<1000000x64xf32, #tpu.memory_space<hbm>> -> memref<1000000x64xf32, #tpu.memory_space<hbm>>
        tpu.enqueue_indirect_dma source(%dma_start3A_167 : memref<1000000x64xf32, #tpu.memory_space<hbm>>) target(%dma_start3A_163 : memref<72x64xf32, #tpu.memory_space<vmem>>) offsets(%dma_start3A_164 : memref<72xi32, #tpu.memory_space<vmem>>) semaphore(%arg16 : memref<!tpu.dma_semaphore, #tpu.memory_space<semaphore_mem>>)
      } else {
      }
      %mul3A_103 = arith.constant 2 : i32
      %mul3A_104 = arith.muli %scan3A_61, %mul3A_103 : i32
      %add3A_105 = arith.constant 1 : i32
      %add3A_106 = arith.addi %mul3A_104, %add3A_105 : i32
      %dma_wait3A_107 = arith.constant 0 : i32
      %dma_wait3A_108 = arith.constant 0 : i32
      %dma_wait3A_109 = tpu.memref_slice %arg11[%dma_wait3A_107, %dma_wait3A_108] : memref<200x64xf32, #tpu.memory_space<vmem>> -> memref<128x64xf32, #tpu.memory_space<vmem>>
      %dma_wait3A_110 = arith.constant 0 : i32
      %dma_wait3A_111 = tpu.memref_slice %arg8[%dma_wait3A_110] : memref<25600xi32, #tpu.memory_space<vmem>> -> memref<128xi32, #tpu.memory_space<vmem>>
      %dma_wait3A_112 = arith.constant 0 : i32
      %dma_wait3A_113 = arith.constant 0 : i32
      %dma_wait3A_114 = tpu.memref_slice %arg3[%dma_wait3A_112, %dma_wait3A_113] : memref<1000000x64xf32, #tpu.memory_space<hbm>> -> memref<1000000x64xf32, #tpu.memory_space<hbm>>
      tpu.wait_indirect_dma semaphore(%arg17 : memref<!tpu.dma_semaphore, #tpu.memory_space<semaphore_mem>>) src(%dma_wait3A_114 : memref<1000000x64xf32, #tpu.memory_space<hbm>>) dst(%dma_wait3A_109 : memref<128x64xf32, #tpu.memory_space<vmem>>)
      %dma_wait3A_115 = arith.constant 128 : i32
      %dma_wait3A_116 = arith.constant 0 : i32
      %dma_wait3A_117 = tpu.memref_slice %arg11[%dma_wait3A_115, %dma_wait3A_116] : memref<200x64xf32, #tpu.memory_space<vmem>> -> memref<72x64xf32, #tpu.memory_space<vmem>>
      %dma_wait3A_118 = arith.constant 128 : i32
      %dma_wait3A_119 = tpu.memref_slice %arg8[%dma_wait3A_118] : memref<25600xi32, #tpu.memory_space<vmem>> -> memref<72xi32, #tpu.memory_space<vmem>>
      %dma_wait3A_120 = arith.constant 0 : i32
      %dma_wait3A_121 = arith.constant 0 : i32
      %dma_wait3A_122 = tpu.memref_slice %arg3[%dma_wait3A_120, %dma_wait3A_121] : memref<1000000x64xf32, #tpu.memory_space<hbm>> -> memref<1000000x64xf32, #tpu.memory_space<hbm>>
      tpu.wait_indirect_dma semaphore(%arg17 : memref<!tpu.dma_semaphore, #tpu.memory_space<semaphore_mem>>) src(%dma_wait3A_122 : memref<1000000x64xf32, #tpu.memory_space<hbm>>) dst(%dma_wait3A_117 : memref<72x64xf32, #tpu.memory_space<vmem>>)
      %ge3A_123 = arith.constant 2 : i32
      %ge3A_124 = arith.cmpi sge, %add3A_106, %ge3A_123 : i32
      %convert_element_type3A_125 = arith.extui %ge3A_124 : i1 to i32
      %cond3A_126 = arith.constant 0 : i32
      %cond3A_127 = arith.cmpi ne, %convert_element_type3A_125, %cond3A_126 : i32
      scf.if %cond3A_127 {
        %dma_wait3A_148 = arith.constant 0 : i32
        %dma_wait3A_149 = tpu.memref_slice %arg7[%mul3A_2, %dma_wait3A_148] : memref<819200x64xf32, #tpu.memory_space<hbm>> -> memref<200x64xf32, #tpu.memory_space<hbm>>
        %dma_wait3A_150 = arith.constant 0 : i32
        %dma_wait3A_151 = tpu.memref_slice %arg7[%mul3A_2, %dma_wait3A_150] : memref<819200x64xf32, #tpu.memory_space<hbm>> -> memref<200x64xf32, #tpu.memory_space<hbm>>
        tpu.wait_dma2 semaphore(%arg19 : memref<!tpu.dma_semaphore, #tpu.memory_space<semaphore_mem>>) src(%arg13 : memref<200x64xf32, #tpu.memory_space<vmem>>) dst(%dma_wait3A_151 : memref<200x64xf32, #tpu.memory_space<hbm>>)
      } else {
      }
      %scan3A_128 = arith.constant 0 : i32
      %scan3A_129 = arith.constant 0 : i32
      %scan3A_130 = arith.constant 100 : i32
      %scan3A_131 = arith.addi %scan3A_129, %scan3A_130 : i32
      %scan3A_132 = arith.constant 1 : i32
      scf.for %scan3A_148 = %scan3A_129 to %scan3A_131 step %scan3A_132  : i32 {
        %mul3A_149 = arith.constant 2 : i32
        %mul3A_150 = arith.muli %mul3A_149, %scan3A_148 : i32
        %get3A_151 = arith.index_cast %mul3A_150 : i32 to index
        %get3A_152 = arith.constant 0 : index
        %get3A_153 = tpu.vector_load %arg11[%get3A_151, %get3A_152] {strides = array<i32>} : memref<200x64xf32, #tpu.memory_space<vmem>>, vector<16xf32>,
        %get3A_154 = arith.index_cast %mul3A_150 : i32 to index
        %get3A_155 = arith.constant 0 : index
        %get3A_156 = tpu.vector_load %arg9[%get3A_154, %get3A_155] {strides = array<i32>} : memref<200x64xf32, #tpu.memory_space<vmem>>, vector<16xf32>,
        %add3A_157 = arith.addf %get3A_153, %get3A_156 : vector<16xf32>
        %get3A_158 = arith.index_cast %mul3A_150 : i32 to index
        %get3A_159 = arith.constant 16 : index
        %get3A_160 = tpu.vector_load %arg11[%get3A_158, %get3A_159] {strides = array<i32>} : memref<200x64xf32, #tpu.memory_space<vmem>>, vector<16xf32>,
        %get3A_161 = arith.index_cast %mul3A_150 : i32 to index
        %get3A_162 = arith.constant 16 : index
        %get3A_163 = tpu.vector_load %arg9[%get3A_161, %get3A_162] {strides = array<i32>} : memref<200x64xf32, #tpu.memory_space<vmem>>, vector<16xf32>,
        %add3A_164 = arith.addf %get3A_160, %get3A_163 : vector<16xf32>
        %get3A_165 = arith.index_cast %mul3A_150 : i32 to index
        %get3A_166 = arith.constant 32 : index
        %get3A_167 = tpu.vector_load %arg11[%get3A_165, %get3A_166] {strides = array<i32>} : memref<200x64xf32, #tpu.memory_space<vmem>>, vector<16xf32>,
        %get3A_168 = arith.index_cast %mul3A_150 : i32 to index
        %get3A_169 = arith.constant 32 : index
        %get3A_170 = tpu.vector_load %arg9[%get3A_168, %get3A_169] {strides = array<i32>} : memref<200x64xf32, #tpu.memory_space<vmem>>, vector<16xf32>,
        %add3A_171 = arith.addf %get3A_167, %get3A_170 : vector<16xf32>
        %get3A_172 = arith.index_cast %mul3A_150 : i32 to index
        %get3A_173 = arith.constant 48 : index
        %get3A_174 = tpu.vector_load %arg11[%get3A_172, %get3A_173] {strides = array<i32>} : memref<200x64xf32, #tpu.memory_space<vmem>>, vector<16xf32>,
        %get3A_175 = arith.index_cast %mul3A_150 : i32 to index
        %get3A_176 = arith.constant 48 : index
        %get3A_177 = tpu.vector_load %arg9[%get3A_175, %get3A_176] {strides = array<i32>} : memref<200x64xf32, #tpu.memory_space<vmem>>, vector<16xf32>,
        %add3A_178 = arith.addf %get3A_174, %get3A_177 : vector<16xf32>
        %add3A_179 = arith.addf %add3A_157, %add3A_164 : vector<16xf32>
        %add3A_180 = arith.addf %add3A_171, %add3A_178 : vector<16xf32>
        %add3A_181 = arith.addf %add3A_179, %add3A_180 : vector<16xf32>
        %reduce_sum3A = arith.constant true
        %reduce_sum3A_182 = vector.broadcast %reduce_sum3A : i1 to vector<16xi1>
        %reduce_sum3A_183 = tpu.scan <sum>, %add3A_181 masked %reduce_sum3A_182 : vector<16xf32>, vector<16xi1> -> vector<16xf32>
        %reduce_sum3A_184 = vector.extract %reduce_sum3A_183[15] : f32 from vector<16xf32>
        %mul3A_185 = arith.mulf %add3A_157, %add3A_157 : vector<16xf32>
        %mul3A_186 = arith.mulf %add3A_164, %add3A_164 : vector<16xf32>
        %add3A_187 = arith.addf %mul3A_185, %mul3A_186 : vector<16xf32>
        %mul3A_188 = arith.mulf %add3A_171, %add3A_171 : vector<16xf32>
        %mul3A_189 = arith.mulf %add3A_178, %add3A_178 : vector<16xf32>
        %add3A_190 = arith.addf %mul3A_188, %mul3A_189 : vector<16xf32>
        %add3A_191 = arith.addf %add3A_187, %add3A_190 : vector<16xf32>
        %reduce_sum3A_192 = arith.constant true
        %reduce_sum3A_193 = vector.broadcast %reduce_sum3A_192 : i1 to vector<16xi1>
        %reduce_sum3A_194 = tpu.scan <sum>, %add3A_191 masked %reduce_sum3A_193 : vector<16xf32>, vector<16xi1> -> vector<16xf32>
        %reduce_sum3A_195 = vector.extract %reduce_sum3A_194[15] : f32 from vector<16xf32>
        %mul3A_196 = arith.constant 1.562500e-02 : f32
        %mul3A_197 = arith.mulf %reduce_sum3A_184, %mul3A_196 : f32
        %mul3A_198 = arith.constant 1.562500e-02 : f32
        %mul3A_199 = arith.mulf %reduce_sum3A_195, %mul3A_198 : f32
        %mul3A_200 = arith.mulf %mul3A_197, %mul3A_197 : f32
        %sub3A = arith.subf %mul3A_199, %mul3A_200 : f32
        %add3A_201 = arith.constant 9.99999996E-13 : f32
        %add3A_202 = arith.addf %sub3A, %add3A_201 : f32
        %broadcast_in_dim3A = vector.broadcast %add3A_202 : f32 to vector<16xf32>
        %bitcast3A = vector.bitcast %broadcast_in_dim3A : vector<16xf32> to vector<16xi32>
        %broadcast_in_dim3A_203 = arith.constant 1597463007 : i32
        %broadcast_in_dim3A_204 = vector.broadcast %broadcast_in_dim3A_203 : i32 to vector<16xi32>
        %broadcast_in_dim3A_205 = arith.constant 1 : i32
        %broadcast_in_dim3A_206 = vector.broadcast %broadcast_in_dim3A_205 : i32 to vector<16xi32>
        %shift_right_logical3A = arith.shrui %bitcast3A, %broadcast_in_dim3A_206 : vector<16xi32>
        %sub3A_207 = arith.subi %broadcast_in_dim3A_204, %shift_right_logical3A : vector<16xi32>
        %bitcast3A_208 = vector.bitcast %sub3A_207 : vector<16xi32> to vector<16xf32>
        %mul3A_209 = arith.constant 5.000000e-01 : f32
        %mul3A_210 = vector.broadcast %mul3A_209 : f32 to vector<16xf32>
        %mul3A_211 = arith.mulf %broadcast_in_dim3A, %mul3A_210 : vector<16xf32>
        %mul3A_212 = arith.mulf %mul3A_211, %bitcast3A_208 : vector<16xf32>
        %mul3A_213 = arith.mulf %mul3A_212, %bitcast3A_208 : vector<16xf32>
        %sub3A_214 = arith.constant 1.500000e+00 : f32
        %sub3A_215 = vector.broadcast %sub3A_214 : f32 to vector<16xf32>
        %sub3A_216 = arith.subf %sub3A_215, %mul3A_213 : vector<16xf32>
        %mul3A_217 = arith.mulf %bitcast3A_208, %sub3A_216 : vector<16xf32>
        %mul3A_218 = arith.mulf %mul3A_211, %mul3A_217 : vector<16xf32>
        %mul3A_219 = arith.mulf %mul3A_218, %mul3A_217 : vector<16xf32>
        %sub3A_220 = arith.constant 1.500000e+00 : f32
        %sub3A_221 = vector.broadcast %sub3A_220 : f32 to vector<16xf32>
        %sub3A_222 = arith.subf %sub3A_221, %mul3A_219 : vector<16xf32>
        %mul3A_223 = arith.mulf %mul3A_217, %sub3A_222 : vector<16xf32>
        %sub3A_224 = vector.broadcast %mul3A_197 : f32 to vector<16xf32>
        %sub3A_225 = arith.subf %add3A_157, %sub3A_224 : vector<16xf32>
        %mul3A_226 = arith.mulf %sub3A_225, %mul3A_223 : vector<16xf32>
        %mul3A_227 = arith.mulf %mul3A_226, %get3A_3 : vector<16xf32>
        %add3A_228 = arith.addf %mul3A_227, %get3A_11 : vector<16xf32>
        %swap3A = arith.index_cast %mul3A_150 : i32 to index
        %swap3A_229 = arith.constant 0 : index
        %swap3A_230 = tpu.vector_load %arg13[%swap3A, %swap3A_229] {strides = array<i32>} : memref<200x64xf32, #tpu.memory_space<vmem>>, vector<16xf32>,
        tpu.vector_store %arg13[%swap3A, %swap3A_229], %add3A_228 {strides = array<i32>} : memref<200x64xf32, #tpu.memory_space<vmem>>, vector<16xf32>,
        %sub3A_231 = vector.broadcast %mul3A_197 : f32 to vector<16xf32>
        %sub3A_232 = arith.subf %add3A_164, %sub3A_231 : vector<16xf32>
        %mul3A_233 = arith.mulf %sub3A_232, %mul3A_223 : vector<16xf32>
        %mul3A_234 = arith.mulf %mul3A_233, %get3A_5 : vector<16xf32>
        %add3A_235 = arith.addf %mul3A_234, %get3A_13 : vector<16xf32>
        %swap3A_236 = arith.index_cast %mul3A_150 : i32 to index
        %swap3A_237 = arith.constant 16 : index
        %swap3A_238 = tpu.vector_load %arg13[%swap3A_236, %swap3A_237] {strides = array<i32>} : memref<200x64xf32, #tpu.memory_space<vmem>>, vector<16xf32>,
        tpu.vector_store %arg13[%swap3A_236, %swap3A_237], %add3A_235 {strides = array<i32>} : memref<200x64xf32, #tpu.memory_space<vmem>>, vector<16xf32>,
        %sub3A_239 = vector.broadcast %mul3A_197 : f32 to vector<16xf32>
        %sub3A_240 = arith.subf %add3A_171, %sub3A_239 : vector<16xf32>
        %mul3A_241 = arith.mulf %sub3A_240, %mul3A_223 : vector<16xf32>
        %mul3A_242 = arith.mulf %mul3A_241, %get3A_7 : vector<16xf32>
        %add3A_243 = arith.addf %mul3A_242, %get3A_15 : vector<16xf32>
        %swap3A_244 = arith.index_cast %mul3A_150 : i32 to index
        %swap3A_245 = arith.constant 32 : index
        %swap3A_246 = tpu.vector_load %arg13[%swap3A_244, %swap3A_245] {strides = array<i32>} : memref<200x64xf32, #tpu.memory_space<vmem>>, vector<16xf32>,
        tpu.vector_store %arg13[%swap3A_244, %swap3A_245], %add3A_243 {strides = array<i32>} : memref<200x64xf32, #tpu.memory_space<vmem>>, vector<16xf32>,
        %sub3A_247 = vector.broadcast %mul3A_197 : f32 to vector<16xf32>
        %sub3A_248 = arith.subf %add3A_178, %sub3A_247 : vector<16xf32>
        %mul3A_249 = arith.mulf %sub3A_248, %mul3A_223 : vector<16xf32>
        %mul3A_250 = arith.mulf %mul3A_249, %get3A_9 : vector<16xf32>
        %add3A_251 = arith.addf %mul3A_250, %get3A_17 : vector<16xf32>
        %swap3A_252 = arith.index_cast %mul3A_150 : i32 to index
        %swap3A_253 = arith.constant 48 : index
        %swap3A_254 = tpu.vector_load %arg13[%swap3A_252, %swap3A_253] {strides = array<i32>} : memref<200x64xf32, #tpu.memory_space<vmem>>, vector<16xf32>,
        tpu.vector_store %arg13[%swap3A_252, %swap3A_253], %add3A_251 {strides = array<i32>} : memref<200x64xf32, #tpu.memory_space<vmem>>, vector<16xf32>,
        %mul3A_255 = arith.constant 2 : i32
        %mul3A_256 = arith.muli %mul3A_255, %scan3A_148 : i32
        %add3A_257 = arith.constant 1 : i32
        %add3A_258 = arith.addi %mul3A_256, %add3A_257 : i32
        %get3A_259 = arith.index_cast %add3A_258 : i32 to index
        %get3A_260 = arith.constant 0 : index
        %get3A_261 = tpu.vector_load %arg11[%get3A_259, %get3A_260] {strides = array<i32>} : memref<200x64xf32, #tpu.memory_space<vmem>>, vector<16xf32>,
        %get3A_262 = arith.index_cast %add3A_258 : i32 to index
        %get3A_263 = arith.constant 0 : index
        %get3A_264 = tpu.vector_load %arg9[%get3A_262, %get3A_263] {strides = array<i32>} : memref<200x64xf32, #tpu.memory_space<vmem>>, vector<16xf32>,
        %add3A_265 = arith.addf %get3A_261, %get3A_264 : vector<16xf32>
        %get3A_266 = arith.index_cast %add3A_258 : i32 to index
        %get3A_267 = arith.constant 16 : index
        %get3A_268 = tpu.vector_load %arg11[%get3A_266, %get3A_267] {strides = array<i32>} : memref<200x64xf32, #tpu.memory_space<vmem>>, vector<16xf32>,
        %get3A_269 = arith.index_cast %add3A_258 : i32 to index
        %get3A_270 = arith.constant 16 : index
        %get3A_271 = tpu.vector_load %arg9[%get3A_269, %get3A_270] {strides = array<i32>} : memref<200x64xf32, #tpu.memory_space<vmem>>, vector<16xf32>,
        %add3A_272 = arith.addf %get3A_268, %get3A_271 : vector<16xf32>
        %get3A_273 = arith.index_cast %add3A_258 : i32 to index
        %get3A_274 = arith.constant 32 : index
        %get3A_275 = tpu.vector_load %arg11[%get3A_273, %get3A_274] {strides = array<i32>} : memref<200x64xf32, #tpu.memory_space<vmem>>, vector<16xf32>,
        %get3A_276 = arith.index_cast %add3A_258 : i32 to index
        %get3A_277 = arith.constant 32 : index
        %get3A_278 = tpu.vector_load %arg9[%get3A_276, %get3A_277] {strides = array<i32>} : memref<200x64xf32, #tpu.memory_space<vmem>>, vector<16xf32>,
        %add3A_279 = arith.addf %get3A_275, %get3A_278 : vector<16xf32>
        %get3A_280 = arith.index_cast %add3A_258 : i32 to index
        %get3A_281 = arith.constant 48 : index
        %get3A_282 = tpu.vector_load %arg11[%get3A_280, %get3A_281] {strides = array<i32>} : memref<200x64xf32, #tpu.memory_space<vmem>>, vector<16xf32>,
        %get3A_283 = arith.index_cast %add3A_258 : i32 to index
        %get3A_284 = arith.constant 48 : index
        %get3A_285 = tpu.vector_load %arg9[%get3A_283, %get3A_284] {strides = array<i32>} : memref<200x64xf32, #tpu.memory_space<vmem>>, vector<16xf32>,
        %add3A_286 = arith.addf %get3A_282, %get3A_285 : vector<16xf32>
        %add3A_287 = arith.addf %add3A_265, %add3A_272 : vector<16xf32>
        %add3A_288 = arith.addf %add3A_279, %add3A_286 : vector<16xf32>
        %add3A_289 = arith.addf %add3A_287, %add3A_288 : vector<16xf32>
        %reduce_sum3A_290 = arith.constant true
        %reduce_sum3A_291 = vector.broadcast %reduce_sum3A_290 : i1 to vector<16xi1>
        %reduce_sum3A_292 = tpu.scan <sum>, %add3A_289 masked %reduce_sum3A_291 : vector<16xf32>, vector<16xi1> -> vector<16xf32>
        %reduce_sum3A_293 = vector.extract %reduce_sum3A_292[15] : f32 from vector<16xf32>
        %mul3A_294 = arith.mulf %add3A_265, %add3A_265 : vector<16xf32>
        %mul3A_295 = arith.mulf %add3A_272, %add3A_272 : vector<16xf32>
        %add3A_296 = arith.addf %mul3A_294, %mul3A_295 : vector<16xf32>
        %mul3A_297 = arith.mulf %add3A_279, %add3A_279 : vector<16xf32>
        %mul3A_298 = arith.mulf %add3A_286, %add3A_286 : vector<16xf32>
        %add3A_299 = arith.addf %mul3A_297, %mul3A_298 : vector<16xf32>
        %add3A_300 = arith.addf %add3A_296, %add3A_299 : vector<16xf32>
        %reduce_sum3A_301 = arith.constant true
        %reduce_sum3A_302 = vector.broadcast %reduce_sum3A_301 : i1 to vector<16xi1>
        %reduce_sum3A_303 = tpu.scan <sum>, %add3A_300 masked %reduce_sum3A_302 : vector<16xf32>, vector<16xi1> -> vector<16xf32>
        %reduce_sum3A_304 = vector.extract %reduce_sum3A_303[15] : f32 from vector<16xf32>
        %mul3A_305 = arith.constant 1.562500e-02 : f32
        %mul3A_306 = arith.mulf %reduce_sum3A_293, %mul3A_305 : f32
        %mul3A_307 = arith.constant 1.562500e-02 : f32
        %mul3A_308 = arith.mulf %reduce_sum3A_304, %mul3A_307 : f32
        %mul3A_309 = arith.mulf %mul3A_306, %mul3A_306 : f32
        %sub3A_310 = arith.subf %mul3A_308, %mul3A_309 : f32
        %add3A_311 = arith.constant 9.99999996E-13 : f32
        %add3A_312 = arith.addf %sub3A_310, %add3A_311 : f32
        %broadcast_in_dim3A_313 = vector.broadcast %add3A_312 : f32 to vector<16xf32>
        %bitcast3A_314 = vector.bitcast %broadcast_in_dim3A_313 : vector<16xf32> to vector<16xi32>
        %broadcast_in_dim3A_315 = arith.constant 1597463007 : i32
        %broadcast_in_dim3A_316 = vector.broadcast %broadcast_in_dim3A_315 : i32 to vector<16xi32>
        %broadcast_in_dim3A_317 = arith.constant 1 : i32
        %broadcast_in_dim3A_318 = vector.broadcast %broadcast_in_dim3A_317 : i32 to vector<16xi32>
        %shift_right_logical3A_319 = arith.shrui %bitcast3A_314, %broadcast_in_dim3A_318 : vector<16xi32>
        %sub3A_320 = arith.subi %broadcast_in_dim3A_316, %shift_right_logical3A_319 : vector<16xi32>
        %bitcast3A_321 = vector.bitcast %sub3A_320 : vector<16xi32> to vector<16xf32>
        %mul3A_322 = arith.constant 5.000000e-01 : f32
        %mul3A_323 = vector.broadcast %mul3A_322 : f32 to vector<16xf32>
        %mul3A_324 = arith.mulf %broadcast_in_dim3A_313, %mul3A_323 : vector<16xf32>
        %mul3A_325 = arith.mulf %mul3A_324, %bitcast3A_321 : vector<16xf32>
        %mul3A_326 = arith.mulf %mul3A_325, %bitcast3A_321 : vector<16xf32>
        %sub3A_327 = arith.constant 1.500000e+00 : f32
        %sub3A_328 = vector.broadcast %sub3A_327 : f32 to vector<16xf32>
        %sub3A_329 = arith.subf %sub3A_328, %mul3A_326 : vector<16xf32>
        %mul3A_330 = arith.mulf %bitcast3A_321, %sub3A_329 : vector<16xf32>
        %mul3A_331 = arith.mulf %mul3A_324, %mul3A_330 : vector<16xf32>
        %mul3A_332 = arith.mulf %mul3A_331, %mul3A_330 : vector<16xf32>
        %sub3A_333 = arith.constant 1.500000e+00 : f32
        %sub3A_334 = vector.broadcast %sub3A_333 : f32 to vector<16xf32>
        %sub3A_335 = arith.subf %sub3A_334, %mul3A_332 : vector<16xf32>
        %mul3A_336 = arith.mulf %mul3A_330, %sub3A_335 : vector<16xf32>
        %sub3A_337 = vector.broadcast %mul3A_306 : f32 to vector<16xf32>
        %sub3A_338 = arith.subf %add3A_265, %sub3A_337 : vector<16xf32>
        %mul3A_339 = arith.mulf %sub3A_338, %mul3A_336 : vector<16xf32>
        %mul3A_340 = arith.mulf %mul3A_339, %get3A_3 : vector<16xf32>
        %add3A_341 = arith.addf %mul3A_340, %get3A_11 : vector<16xf32>
        %swap3A_342 = arith.index_cast %add3A_258 : i32 to index
        %swap3A_343 = arith.constant 0 : index
        %swap3A_344 = tpu.vector_load %arg13[%swap3A_342, %swap3A_343] {strides = array<i32>} : memref<200x64xf32, #tpu.memory_space<vmem>>, vector<16xf32>,
        tpu.vector_store %arg13[%swap3A_342, %swap3A_343], %add3A_341 {strides = array<i32>} : memref<200x64xf32, #tpu.memory_space<vmem>>, vector<16xf32>,
        %sub3A_345 = vector.broadcast %mul3A_306 : f32 to vector<16xf32>
        %sub3A_346 = arith.subf %add3A_272, %sub3A_345 : vector<16xf32>
        %mul3A_347 = arith.mulf %sub3A_346, %mul3A_336 : vector<16xf32>
        %mul3A_348 = arith.mulf %mul3A_347, %get3A_5 : vector<16xf32>
        %add3A_349 = arith.addf %mul3A_348, %get3A_13 : vector<16xf32>
        %swap3A_350 = arith.index_cast %add3A_258 : i32 to index
        %swap3A_351 = arith.constant 16 : index
        %swap3A_352 = tpu.vector_load %arg13[%swap3A_350, %swap3A_351] {strides = array<i32>} : memref<200x64xf32, #tpu.memory_space<vmem>>, vector<16xf32>,
        tpu.vector_store %arg13[%swap3A_350, %swap3A_351], %add3A_349 {strides = array<i32>} : memref<200x64xf32, #tpu.memory_space<vmem>>, vector<16xf32>,
        %sub3A_353 = vector.broadcast %mul3A_306 : f32 to vector<16xf32>
        %sub3A_354 = arith.subf %add3A_279, %sub3A_353 : vector<16xf32>
        %mul3A_355 = arith.mulf %sub3A_354, %mul3A_336 : vector<16xf32>
        %mul3A_356 = arith.mulf %mul3A_355, %get3A_7 : vector<16xf32>
        %add3A_357 = arith.addf %mul3A_356, %get3A_15 : vector<16xf32>
        %swap3A_358 = arith.index_cast %add3A_258 : i32 to index
        %swap3A_359 = arith.constant 32 : index
        %swap3A_360 = tpu.vector_load %arg13[%swap3A_358, %swap3A_359] {strides = array<i32>} : memref<200x64xf32, #tpu.memory_space<vmem>>, vector<16xf32>,
        tpu.vector_store %arg13[%swap3A_358, %swap3A_359], %add3A_357 {strides = array<i32>} : memref<200x64xf32, #tpu.memory_space<vmem>>, vector<16xf32>,
        %sub3A_361 = vector.broadcast %mul3A_306 : f32 to vector<16xf32>
        %sub3A_362 = arith.subf %add3A_286, %sub3A_361 : vector<16xf32>
        %mul3A_363 = arith.mulf %sub3A_362, %mul3A_336 : vector<16xf32>
        %mul3A_364 = arith.mulf %mul3A_363, %get3A_9 : vector<16xf32>
        %add3A_365 = arith.addf %mul3A_364, %get3A_17 : vector<16xf32>
        %swap3A_366 = arith.index_cast %add3A_258 : i32 to index
        %swap3A_367 = arith.constant 48 : index
        %swap3A_368 = tpu.vector_load %arg13[%swap3A_366, %swap3A_367] {strides = array<i32>} : memref<200x64xf32, #tpu.memory_space<vmem>>, vector<16xf32>,
        tpu.vector_store %arg13[%swap3A_366, %swap3A_367], %add3A_365 {strides = array<i32>} : memref<200x64xf32, #tpu.memory_space<vmem>>, vector<16xf32>,
      }
      %scan3A_133 = arith.constant 100 : i32
      %mul3A_134 = arith.constant 200 : i32
      %mul3A_135 = arith.muli %add3A_106, %mul3A_134 : i32
      %add3A_136 = arith.addi %mul3A_2, %mul3A_135 : i32
      %dma_start3A_137 = arith.constant 0 : i32
      %dma_start3A_138 = tpu.memref_slice %arg7[%add3A_136, %dma_start3A_137] : memref<819200x64xf32, #tpu.memory_space<hbm>> -> memref<200x64xf32, #tpu.memory_space<hbm>>
      %dma_start3A_139 = arith.constant 0 : i32
      %dma_start3A_140 = tpu.memref_slice %arg7[%add3A_136, %dma_start3A_139] : memref<819200x64xf32, #tpu.memory_space<hbm>> -> memref<200x64xf32, #tpu.memory_space<hbm>>
      tpu.enqueue_dma source(%arg13 : memref<200x64xf32, #tpu.memory_space<vmem>>) target(%dma_start3A_140 : memref<200x64xf32, #tpu.memory_space<hbm>>) target_semaphore(%arg19 : memref<!tpu.dma_semaphore, #tpu.memory_space<semaphore_mem>>)
      %add3A_141 = arith.constant 2 : i32
      %add3A_142 = arith.addi %add3A_106, %add3A_141 : i32
      %lt3A_143 = arith.constant 128 : i32
      %lt3A_144 = arith.cmpi slt, %add3A_142, %lt3A_143 : i32
      %convert_element_type3A_145 = arith.extui %lt3A_144 : i1 to i32
      %cond3A_146 = arith.constant 0 : i32
      %cond3A_147 = arith.cmpi ne, %convert_element_type3A_145, %cond3A_146 : i32
      scf.if %cond3A_147 {
        %add3A_148 = arith.constant 2 : i32
        %add3A_149 = arith.addi %add3A_106, %add3A_148 : i32
        %mul3A_150 = arith.constant 200 : i32
        %mul3A_151 = arith.muli %add3A_149, %mul3A_150 : i32
        %dma_start3A_152 = arith.constant 0 : i32
        %dma_start3A_153 = arith.constant 0 : i32
        %dma_start3A_154 = tpu.memref_slice %arg11[%dma_start3A_152, %dma_start3A_153] : memref<200x64xf32, #tpu.memory_space<vmem>> -> memref<128x64xf32, #tpu.memory_space<vmem>>
        %dma_start3A_155 = tpu.memref_slice %arg8[%mul3A_151] : memref<25600xi32, #tpu.memory_space<vmem>> -> memref<128xi32, #tpu.memory_space<vmem>>
        %dma_start3A_156 = arith.constant 0 : i32
        %dma_start3A_157 = arith.constant 0 : i32
        %dma_start3A_158 = tpu.memref_slice %arg3[%dma_start3A_156, %dma_start3A_157] : memref<1000000x64xf32, #tpu.memory_space<hbm>> -> memref<1000000x64xf32, #tpu.memory_space<hbm>>
        tpu.enqueue_indirect_dma source(%dma_start3A_158 : memref<1000000x64xf32, #tpu.memory_space<hbm>>) target(%dma_start3A_154 : memref<128x64xf32, #tpu.memory_space<vmem>>) offsets(%dma_start3A_155 : memref<128xi32, #tpu.memory_space<vmem>>) semaphore(%arg17 : memref<!tpu.dma_semaphore, #tpu.memory_space<semaphore_mem>>)
        %add3A_159 = arith.constant 128 : i32
        %add3A_160 = arith.addi %mul3A_151, %add3A_159 : i32
        %dma_start3A_161 = arith.constant 128 : i32
        %dma_start3A_162 = arith.constant 0 : i32
        %dma_start3A_163 = tpu.memref_slice %arg11[%dma_start3A_161, %dma_start3A_162] : memref<200x64xf32, #tpu.memory_space<vmem>> -> memref<72x64xf32, #tpu.memory_space<vmem>>
        %dma_start3A_164 = tpu.memref_slice %arg8[%add3A_160] : memref<25600xi32, #tpu.memory_space<vmem>> -> memref<72xi32, #tpu.memory_space<vmem>>
        %dma_start3A_165 = arith.constant 0 : i32
        %dma_start3A_166 = arith.constant 0 : i32
        %dma_start3A_167 = tpu.memref_slice %arg3[%dma_start3A_165, %dma_start3A_166] : memref<1000000x64xf32, #tpu.memory_space<hbm>> -> memref<1000000x64xf32, #tpu.memory_space<hbm>>
        tpu.enqueue_indirect_dma source(%dma_start3A_167 : memref<1000000x64xf32, #tpu.memory_space<hbm>>) target(%dma_start3A_163 : memref<72x64xf32, #tpu.memory_space<vmem>>) offsets(%dma_start3A_164 : memref<72xi32, #tpu.memory_space<vmem>>) semaphore(%arg17 : memref<!tpu.dma_semaphore, #tpu.memory_space<semaphore_mem>>)
      } else {
      }
    }
    %scan3A_53 = arith.constant 64 : i32
    %dma_wait3A = arith.constant 0 : i32
    %dma_wait3A_54 = tpu.memref_slice %arg7[%mul3A_2, %dma_wait3A] : memref<819200x64xf32, #tpu.memory_space<hbm>> -> memref<200x64xf32, #tpu.memory_space<hbm>>
    %dma_wait3A_55 = arith.constant 0 : i32
    %dma_wait3A_56 = tpu.memref_slice %arg7[%mul3A_2, %dma_wait3A_55] : memref<819200x64xf32, #tpu.memory_space<hbm>> -> memref<200x64xf32, #tpu.memory_space<hbm>>
    tpu.wait_dma2 semaphore(%arg18 : memref<!tpu.dma_semaphore, #tpu.memory_space<semaphore_mem>>) src(%arg12 : memref<200x64xf32, #tpu.memory_space<vmem>>) dst(%dma_wait3A_56 : memref<200x64xf32, #tpu.memory_space<hbm>>)
    %dma_wait3A_57 = arith.constant 0 : i32
    %dma_wait3A_58 = tpu.memref_slice %arg7[%mul3A_2, %dma_wait3A_57] : memref<819200x64xf32, #tpu.memory_space<hbm>> -> memref<200x64xf32, #tpu.memory_space<hbm>>
    %dma_wait3A_59 = arith.constant 0 : i32
    %dma_wait3A_60 = tpu.memref_slice %arg7[%mul3A_2, %dma_wait3A_59] : memref<819200x64xf32, #tpu.memory_space<hbm>> -> memref<200x64xf32, #tpu.memory_space<hbm>>
    tpu.wait_dma2 semaphore(%arg19 : memref<!tpu.dma_semaphore, #tpu.memory_space<semaphore_mem>>) src(%arg13 : memref<200x64xf32, #tpu.memory_space<vmem>>) dst(%dma_wait3A_60 : memref<200x64xf32, #tpu.memory_space<hbm>>)
    return
  }
}

</mosaic_0001>

<sc_bundles>
// kernel: kernel.3.cloned.1.call-start
scs
__scs_entry_jumppad:
0x0: {  	(pc) =	sbr.rel $0x88, $3  }
0x1: {  	(tag) =	ssettag $0x0;
	lr =	simm.s32 $0x1  }
0x2: {  	[smem:$0x3F9C] =	sst lr;
	_ =	strace $0xD0000000  }
0x3: {  	_ = 	snop  }
0x4: {  	_ = 	snop  }
0x5: {  	_ = 	snop  }
0x6: {  	_ = 	snop  }
0x7: {  	_ = 	snop  }
__scs_overlays_trampoline_lowered:
0x8: {  	[smem:$0x3FAB] =	sst s0  }
0x9: {  	[smem:$0x3FAC] =	sst s1  }
0xa: {  	[smem:$0x3FAD] =	sst s2  }
0xb: {  	[smem:$0x3FAE] =	sst s3  }
0xc: {  	[smem:$0x3FAF] =	sst s4  }
0xd: {  	[smem:$0x3FB0] =	sst s5  }
0xe: {  	[smem:$0x3FB1] =	sst s6  }
0xf: {  	[smem:$0x3FB2] =	sst s7  }
0x10: {  	[smem:$0x3FB3] =	sst s8  }
0x11: {  	[smem:$0x3FB4] =	sst s9;
	s0 =	simm.s32 @!p0 $0x0  }
0x12: {  	s1 =	sld [smem:$0x3F9A];
	s0 =	simm.s32 @p0 $0x1  }
0x13: {  	[smem:$0x3FB5] =	sst s0;
	s0 =	simm.s32 @!p1 $0x0  }
0x14: {  	s2 =	sld [smem:$0x3F99];
	s0 =	simm.s32 @p1 $0x1  }
0x15: {  	[smem:$0x3FB6] =	sst s0;
	s0 =	simm.s32 @!p2 $0x0  }
0x16: {  	s3 =	sld [smem:$0x3FDB];
	s0 =	simm.s32 @p2 $0x1  }
0x17: {  	s4 =	simm.s32 $0x1BF5;
	[smem:$0x3FB8] =	sst s0  }
0x18: {  	s0 =	sld [smem:$0x3F9B];
	_ =	swait.ge [sflag:s4], $0x0  }
0x19: {  	s7 =	sld [smem:$0x3F9C]  }
0x1a: {  	s8 =	sadd.s32 $0xFFFFE003, lr  }
0x1b: {  	s9 =	sadd.s32 $0xFFFFFEF7, lr;
	s5 =	simm.s32 $0xFFFFFFFF;
	p2 =	slt.u32 s8, $0xFFFFF086  }
0x1c: {  	p1 =	slt.u32 s9, $0xF7A;
	s5 =	simm.s32 @!p2 $0x0  }
0x1d: {  	s5 =	simm.s32 @p1 $0x1;
	p0 =	seq.s32 s7, s2  }
0x1e: {  	s7 =	smul.u32 @!p0 $0xF7A, s2;
	p2 =	seq.s32 @!p0 s5, $0x0  }
0x1f: {  	s9 =	smul.u32 $0xF7A, s1;
	s8 =	simm.s32 @!p0 $0x1BF5;
	p2 =	por !p2, p0  }
0x20: {  	[sflag:s8] =	ssyncset.s32 @!p0 $0xFFFFF086;
	s6 =	sadd.s32 @!p0 s3, s7;
	s7 =	simm.s32 @!p0 $0x108  }
0x21: {  	s3 =	sadd.s32 s3, s9;
	s6 =	sadd.s32 @!p0 $0x88, s6;
	s7 =	simm.s32 @p2 $0x1082  }
0x22: {  	[simem:s7], [sflag:s8] =	dma.local @!p0 [hbm:s6], $0xF7A  }
0x23: {  	s9 =	sor.u32 $0xD0000000, s2;
	s6 =	simm.s32 $0x108;
	_ =	swait.ge @!p0 [sflag:s8], $0x0  }
0x24: {  	s3 =	sadd.s32 $0x88, s3;
	s6 =	simm.s32 @!p1 $0x1082;
	[sflag:s4] =	ssyncset.s32 $0xFFFFF086  }
0x25: {  	[simem:s6], [sflag:s4] =	dma.local [hbm:s3], $0xF7A  }
0x26: {  	[smem:$0x3F9C] =	sst s1;
	(tag) =	ssettag s2;
	_ =	strace s9  }
0x27: {  	s1 =	sld [smem:$0x3FAC]  }
0x28: {  	s2 =	sld [smem:$0x3FAD]  }
0x29: {  	s4 =	sld [smem:$0x3FAF]  }
0x2a: {  	p0 =	seq.s32 s5, $0x0;
	s5 =	sld [smem:$0x3FB0]  }
0x2b: {  	s6 =	sld [smem:$0x3FB1]  }
0x2c: {  	s7 =	sld [smem:$0x3FB2]  }
0x2d: {  	s3 =	simm.s32 $0x108;
	s8 =	sld [smem:$0x3FB3]  }
0x2e: {  	s3 =	simm.s32 @!p0 $0x1082;
	s9 =	sld [smem:$0x3FB4]  }
0x2f: {  	lr =	sadd.s32 s0, s3;
	s0 =	sld [smem:$0x3FAB]  }
0x30: {  	s3 =	sld [smem:$0x3FAE]  }
0x31: {  	[smem:$0x3FB7] =	sst s10  }
0x32: {  	s10 =	sld [smem:$0x3FB5];
	_ =	sdelay $0x3  }
0x33: {  	p0 =	seq.s32 s10, $0x1;
	s10 =	sld [smem:$0x3FB7];
	_ =	sdelay $0x3  }
0x34: {  	[smem:$0x3FB7] =	sst s10  }
0x35: {  	s10 =	sld [smem:$0x3FB6];
	_ =	sdelay $0x3  }
0x36: {  	p1 =	seq.s32 s10, $0x1;
	s10 =	sld [smem:$0x3FB7];
	_ =	sdelay $0x3  }
0x37: {  	[smem:$0x3FB7] =	sst s10  }
0x38: {  	s10 =	sld [smem:$0x3FB8]  }
0x39: {  	_ = 	snop;
	(pc) =	sbr.ind lr, $3  }
0x3a: {  	_ = 	snop  }
0x3b: {  	_ = 	snop  }
0x3c: {  	p2 =	seq.s32 s10, $0x1;
	s10 =	sld [smem:$0x3FB7]  }
0x3d: {  	_ =	shalt  }
0x3e: {  	_ =	shalt  }
0x3f: {  	_ =	shalt  }
0x40: {  	_ =	shalt  }
0x41: {  	_ =	shalt  }
0x42: {  	_ =	shalt  }
0x43: {  	_ =	shalt  }
0x44: {  	_ =	shalt  }
0x45: {  	_ =	shalt  }
0x46: {  	_ =	shalt  }
0x47: {  	_ =	shalt  }
0x48: {  	_ =	shalt  }
0x49: {  	_ =	shalt  }
0x4a: {  	_ =	shalt  }
0x4b: {  	_ =	shalt  }
0x4c: {  	_ =	shalt  }
0x4d: {  	_ =	shalt  }
0x4e: {  	_ =	shalt  }
0x4f: {  	_ =	shalt  }
0x50: {  	_ =	shalt  }
0x51: {  	_ =	shalt  }
0x52: {  	_ =	shalt  }
0x53: {  	_ =	shalt  }
0x54: {  	_ =	shalt  }
0x55: {  	_ =	shalt  }
0x56: {  	_ =	shalt  }
0x57: {  	_ =	shalt  }
0x58: {  	_ =	shalt  }
0x59: {  	_ =	shalt  }
0x5a: {  	_ =	shalt  }
0x5b: {  	_ =	shalt  }
0x5c: {  	_ =	shalt  }
0x5d: {  	_ =	shalt  }
0x5e: {  	_ =	shalt  }
0x5f: {  	_ =	shalt  }
0x60: {  	_ =	shalt  }
0x61: {  	_ =	shalt  }
0x62: {  	_ =	shalt  }
0x63: {  	_ =	shalt  }
0x64: {  	_ =	shalt  }
0x65: {  	_ =	shalt  }
0x66: {  	_ =	shalt  }
0x67: {  	_ =	shalt  }
0x68: {  	_ =	shalt  }
0x69: {  	_ =	shalt  }
0x6a: {  	_ =	shalt  }
0x6b: {  	_ =	shalt  }
0x6c: {  	_ =	shalt  }
0x6d: {  	_ =	shalt  }
0x6e: {  	_ =	shalt  }
0x6f: {  	_ =	shalt  }
0x70: {  	_ =	shalt  }
0x71: {  	_ =	shalt  }
0x72: {  	_ =	shalt  }
0x73: {  	_ =	shalt  }
0x74: {  	_ =	shalt  }
0x75: {  	_ =	shalt  }
0x76: {  	_ =	shalt  }
0x77: {  	_ =	shalt  }
0x78: {  	_ =	shalt  }
0x79: {  	_ =	shalt  }
0x7a: {  	_ =	shalt  }
0x7b: {  	_ =	shalt  }
0x7c: {  	_ =	shalt  }
0x7d: {  	_ =	shalt  }
0x7e: {  	_ =	shalt  }
0x7f: {  	_ =	shalt  }
0x80: {  	_ =	shalt  }
0x81: {  	_ =	shalt  }
0x82: {  	_ =	shalt  }
0x83: {  	_ =	shalt  }
0x84: {  	_ =	shalt  }
0x85: {  	_ =	shalt  }
0x86: {  	_ =	shalt  }
0x87: {  	_ =	shalt  }
.Lfunc_end0:
.L_simem_size_0:
called_computation.1_lowered:
.L_overlay_start_0:
0x88: {  	s2 =	sld [smem:$0x3FD9]  }
0x89: {  	s3 =	sld [smem:$0x3FFE];
	_ =	sdelay $0x1  }
0x8a: {  	s1 =	srdreg.scid  }
0x8b: {  	s0 =	sand.u32 $0x1, s1  }
0x8c: {  	s17 =	sshll.u32 s0, $0xA;
	s2 =	sadd.s32 s3, s2  }
0x8d: {  	s2 =	sadd.s32 s2, s17  }
0x8e: {  	[smem:$0x3FC3] =	sst s2  }
0x8f: {  	_ = 	snop  }
0x90: {  	s2 =	sld [smem:$0x3FC6]  }
0x91: {  	s18 =	sld [smem:$0x3FC5]  }
0x92: {  	s4 =	sld [smem:$0x3FD0];
	(tm) =	ssettm $0x1  }
0x93: {  	s5 =	sld [smem:$0x3FFB];
	_ =	sdelay $0x3  }
0x94: {  	_ =	strace s5  }
0x95: {  	s5 =	sld [smem:$0x3FFC];
	_ =	sdelay $0x3  }
0x96: {  	_ =	strace s5  }
0x97: {  	s5 =	sld [smem:$0x3FFD];
	_ =	sdelay $0x3  }
0x98: {  	_ =	strace s5  }
0x99: {  	_ =	strace $0x8FFFFFFF  }
0x9a: {  	s19 =	sld [smem:$0x3FDB];
	_ =	sdelay $0x1  }
0x9b: {  	s6 =	simm.s32 $_scs_section_size  }
0x9c: {  	s7 =	simm.s32 $_size__tile_overlayer_lowered;
	s8 =	simm.s32 $_tile_overlayer_lowered  }
0x9d: {  	s22 =	simm.s32 $0x1BFF;
	s21 =	sshll.u32 s8, $0x1;
	s5 =	sadd.s32 s6, s19  }
0x9e: {  	s9 =	simm.s32 $0x0;
	s20 =	sshll.u32 s7, $0x1;
	s7 =	sadd.s32 s21, s5  }
0x9f: {  	[timem:s9], [sflag:s22] =	dma.local [hbm:s7], s20  }
0xa0: {  	_ =	swait.ge [sflag:s22], s20  }
0xa1: {  	s6 =	ssub.s32 $0x0, s20;
	[sflag:s22] =	ssyncset.done $0x0  }
0xa2: {  	[sflag:s22] =	ssyncadd.s32 s6;
	_ =	sdelay $0x1  }
0xa3: {  	s23 =	simm.s32 $0x1B8B  }
0xa4: {  	_ =	swait.ge [sflag:s23], $0x1  }
0xa5: {  	[sflag:s23] =	ssyncset.done $0x0  }
0xa6: {  	s25 =	simm.s32 $0x1B8E;
	s24 =	sld [smem:$0x3FFE];
	[sflag:s23] =	ssyncadd.s32 $0xFFFFFFFF  }
0xa7: {  	s26 =	simm.s32 $execute0_lowered;
	[smem:$0x3FD2] =	sst s25  }
0xa8: {  	s7 =	sshll.u32 s26, $0x1;
	_ =	strace $0x80000046;
	[dreg:$0x1] =	wrdreg $0xFFFFFFFF  }
0xa9: {  	s28 =	simm.s32 $_size_execute0_lowered;
	s5 =	sadd.s32 s5, s7;
	[dreg:$0x0] =	wrdreg $0x0  }
0xaa: {  	s7 =	sshll.u32 s28, $0x1;
	[dreg:$0x2] =	wrdreg s5  }
0xab: {  	[dreg:$0x3] =	wrdreg s7  }
0xac: {  	[dreg:$0x4] =	wrdreg $0xC0  }
0xad: {  	_ =	task [dreg:s9], $0x5FFFF  }
0xae: {  	[dreg:$0x1] =	wrdreg $0xFFFFFFFF  }
0xaf: {  	[dreg:$0x0] =	wrdreg $0x60  }
0xb0: {  	[dreg:$0x2] =	wrdreg s24  }
0xb1: {  	[dreg:$0x3] =	wrdreg s2  }
0xb2: {  	[dreg:$0x4] =	wrdreg s18  }
0xb3: {  	[dreg:$0x5] =	wrdreg s4  }
0xb4: {  	[dreg:$0x6] =	wrdreg $0x9  }
0xb5: {  	_ =	task.clear_ibuf [dreg:s9], $0x7FFFF;
	_ =	strace $0x90000046  }
0xb6: {  	s29 =	simm.s32 $0x9;
	_ =	strace $0x80000048  }
0xb7: {  	_ =	swait.ge [sflag:s29], $0x1  }
0xb8: {  	[sflag:s29] =	ssyncadd.s32 $0xFFFFFFFF  }
0xb9: {  	_ =	strace $0x90000048  }
0xba: {  	_ =	sfence  }
0xbb: {  	s30 =	sld [smem:$0x0];
	_ =	sdelay $0x2  }
0xbc: {  	s31 =	sshll.u32 s1, $0xD;
	s1 =	sshrl.u32 s1, $0x2  }
0xbd: {  	s3 =	sand.u32 $0x4000, s31;
	s1 =	sadd.s32 s1, s30  }
0xbe: {  	s0 =	sor.u32 s3, s0;
	s1 =	sshll.u32 s1, $0x11  }
0xbf: {  	s0 =	sor.u32 s1, s0  }
0xc0: {  	s0 =	sadd.s32 $0x8F2B, s0  }
0xc1: {  	[sflag:s0] =	ssyncadd.remote.s32 $0x1  }
0xc2: {  	_ =	sfence.sel $0xFFFF  }
0xc3: {  	[dreg:$0x0] =	wrdreg $0xFFFFFFFF;
	(pc) =	sbr.abs _section_cstart, $3  }
0xc4: {  	[dreg:$0x1] =	wrdreg $0xFFFFFFFF  }
0xc5: {  	_ =	task.clear_ibuf [dreg:s9], $0x2FFFF;
	_ =	strace $0x9FFFFFFF  }
0xc6: {  	(tm) =	ssettm $0x7FFFFFFF  }
0xc7: {  	_ =	shalt  }
tec
execute0_lowered:
.L_overlay_start_1:
0x0: {  	(tag) =	ssettag $0x1  }
0x1: {  	s0 =	rddreg [dreg:$0x0];
	s1 =	srdreg.scid  }
0x2: {  	s2 =	stileid.u32;
	s4 =	rddreg [dreg:$0x3];
	s5 =	simm.s32 $0x0  }
0x3: {  	s12 =	simm.s32 $0x5;
	s16 =	simm.s32 $0x80;
	s18 =	simm.s32 $0x48  }
0x4: {  	s21 =	simm.s32 $0xC800;
	s23 =	simm.s32 $0xE800;
	s24 =	simm.s32 $0x1  }
0x5: {  	s25 =	simm.s32 $0xFA00;
	s1 =	sand.u32 $0x1, s1;
	s2 =	sshll.u32 s2, $0x1  }
0x6: {  	s28 =	simm.s32 $0x12C00;
	s29 =	simm.s32 $0x3;
	s2 =	sor.u32 s1, s2  }
0x7: {  	s30 =	simm.s32 $0x4;
	s31 =	simm.s32 $0x0;
	s6 =	smul.u32 $0x6400, s2  }
.Ltmp0:
0x8: {  	[smem:$0x7FF] =	sst s5;
	s1 =	ssub.s32 $0x2, s1;
	(pc) =	sbr.rel .LBB2_1-.Ltmp0, $4  }
0x9: {  	s7 =	sadd.s32 $0xF43000, s0;
	_ =	strace $0x80000047;
	s3 =	sshrl.u32 s1, $0x1  }
0xa: {  	s26 =	ssub.s32 s1, s3;
	s2 =	sshrl.u32 s6, $0x3;
	s10 =	sor.u32 $0xC8, s6  }
0xb: {  	s11 =	smax.u32 s26, $0x1;
	s2 =	sadd.s32 s2, s0;
	s0 =	sadd.s32 $0x19C00, s0  }
0xc: {  	s26 =	simm.s32 $0x2;
	[dreg:$0x5] =	wrdreg s0;
	s9 =	sadd.s32 $0xC00, s2  }
.LBB2_8:
0xd: {  	s31 =	sadd.s32 $0x1, s31  }
0xe: {  	_ =	swait.ge [sflag:s29], $0x3200;
	p0 =	sne.s32 s31, s11  }
.Ltmp1:
0xf: {  	[sflag:s29] =	ssyncset.done $0x0;
	(pc) =	sbr.rel @!p0 .LBB2_9-.Ltmp1, $4  }
0x10: {  	[sflag:s29] =	ssyncadd.s32 $0xFFFFCE00  }
0x11: {  	_ =	swait.ge [sflag:s30], $0x3200  }
0x12: {  	[sflag:s30] =	ssyncset.done $0x0  }
0x13: {  	[sflag:s30] =	ssyncadd.s32 $0xFFFFCE00  }
.LBB2_1:
0x14: {  	[tilespmem:s5], [sflag:$0x5] =	stream.linear.gather [hbm4b:s9+s5], $0x6400, $0x38;
	[tilespmem:$0x15E80] =	vst v63  }
0x15: {  	_ =	swait.ge [sflag:s12], $0x6400  }
0x16: {  	[sflag:s12] =	ssyncset.done $0x0  }
0x17: {  	s1 =	simm.s32 $0x6400;
	s0 =	rddreg [dreg:$0x5];
	[sflag:s12] =	ssyncadd.s32 $0xFFFF9C00  }
0x18: {  	[tilespmem:s1], [sflag:$0x5] =	stream.linear.gather [hbm4b:s0+s5], $0x3200, $0x38;
	[tilespmem:$0x15E80] =	vst v63  }
0x19: {  	_ =	swait.ge [sflag:s12], $0x3200  }
0x1a: {  	[sflag:s12] =	ssyncset.done $0x0  }
0x1b: {  	[sflag:s12] =	ssyncadd.s32 $0xFFFFCE00  }
0x1c: {  	s13 =	simm.s32 $0x15E00;
	s8 =	rddreg [dreg:$0x1]  }
0x1d: {  	[tilespmem:s13], [sflag:$0x5] =	stream.linear.gather [hbm4b:s8+s5], $0x40, $0x38;
	[tilespmem:$0x15E80] =	vst v63  }
0x1e: {  	_ =	swait.ge [sflag:s12], $0x40  }
0x1f: {  	[sflag:s12] =	ssyncset.done $0x0  }
0x20: {  	[sflag:s12] =	ssyncadd.s32 $0xFFFFFFC0  }
0x21: {  	s15 =	simm.s32 $0x15E40;
	s14 =	rddreg [dreg:$0x2]  }
0x22: {  	[tilespmem:s15], [sflag:$0x5] =	stream.linear.gather [hbm4b:s14+s5], $0x40, $0x38;
	[tilespmem:$0x15E80] =	vst v63  }
0x23: {  	_ =	swait.ge [sflag:s12], $0x40  }
0x24: {  	[sflag:s12] =	ssyncset.done $0x0  }
0x25: {  	[sflag:s12] =	ssyncadd.s32 $0xFFFFFFC0  }
0x26: {  	v0 =	vld [tilespmem:$0x15E00]  }
0x27: {  	v1 =	vld [tilespmem:$0x15E10]  }
0x28: {  	v2 =	vld [tilespmem:$0x15E20]  }
0x29: {  	v3 =	vld [tilespmem:$0x15E30]  }
0x2a: {  	v4 =	vld [tilespmem:$0x15E40]  }
0x2b: {  	v5 =	vld [tilespmem:$0x15E50]  }
0x2c: {  	s17 =	simm.s32 $0x9600;
	v6 =	vld [tilespmem:$0x15E60]  }
0x2d: {  	v7 =	vld [tilespmem:$0x15E70];
	[tilespmem:s17], [sflag:$0x1] =	stream.indirect.gather [hbm4b:s7+s16], $0x40, s5, s16, $0xb8  }
0x2e: {  	s19 =	simm.s32 $0xB600  }
0x2f: {  	[tilespmem:s19], [sflag:$0x1] =	stream.indirect.gather [hbm4b:s7+s18], $0x40, s16, s18, $0xb8;
	[tilespmem:$0x15E80] =	vst v63  }
0x30: {  	s20 =	simm.s32 $0xC8  }
0x31: {  	[tilespmem:s21], [sflag:$0x2] =	stream.indirect.gather [hbm4b:s7+s16], $0x40, s20, s16, $0xb8;
	[tilespmem:$0x15E80] =	vst v63  }
0x32: {  	s22 =	simm.s32 $0x148;
	s2 =	simm.s32 $0x0  }
0x33: {  	[tilespmem:s23], [sflag:$0x2] =	stream.indirect.gather [hbm4b:s7+s18], $0x40, s22, s18, $0xb8;
	[tilespmem:$0x15E80] =	vst v63  }
.LBB2_2:
0x34: {  	_ =	swait.ge [sflag:s24], $0x2000  }
0x35: {  	[sflag:s24] =	ssyncset.done $0x0  }
0x36: {  	[sflag:s24] =	ssyncadd.s32 $0xFFFFE000  }
0x37: {  	_ =	swait.ge [sflag:s24], $0x1200  }
0x38: {  	p0 =	seq.s32 s2, $0x0;
	[sflag:s24] =	ssyncset.done $0x0  }
0x39: {  	s0 =	simm.s32 @!p0 $0x3;
	[sflag:s24] =	ssyncadd.s32 $0xFFFFEE00  }
0x3a: {  	_ =	swait.ge @!p0 [sflag:s0], $0x3200  }
0x3b: {  	[sflag:s0] =	ssyncset.done @!p0 $0x0  }
0x3c: {  	[sflag:s0] =	ssyncadd.s32 @!p0 $0xFFFFCE00;
	s0 =	simm.s32 $0x70  }
0x3d: {  	v8 =	vld [tilespmem:s0+$0x63C0]  }
0x3e: {  	v9 =	vld [tilespmem:s0+$0x63A0]  }
0x3f: {  	v10 =	vld [tilespmem:s0+$0x63B0]  }
0x40: {  	v11 =	vld [tilespmem:s0+$0x6390]  }
0x41: {  	v12 =	vld [tilespmem:s0+$0x95C0]  }
0x42: {  	v13 =	vld [tilespmem:s0+$0x95B0]  }
0x43: {  	v14 =	vld [tilespmem:s0+$0x95A0]  }
0x44: {  	v15 =	vld [tilespmem:s0+$0x9590];
	_ =	sdelay $0x3  }
0x45: {  	v13 =	vadd.f32 v10, v13;
	v9 =	vadd.f32 v9, v14  }
0x46: {  	v14 =	vadd.f32 v11, v15;
	v8 =	vadd.f32 v8, v12  }
0x47: {  	v10 =	vmul.f32 v13, v13;
	v11 =	vmul.f32 v9, v9  }
0x48: {  	v12 =	vmul.f32 v8, v8;
	v15 =	vmul.f32 v14, v14  }
0x49: {  	v17 =	vld [tilespmem:s0+$0x63F0]  }
0x4a: {  	v18 =	vld [tilespmem:s0+$0x95D0];
	v10 =	vadd.f32 v12, v10;
	v11 =	vadd.f32 v11, v15  }
0x4b: {  	s1 =	simm.s32 $0xF0;
	v19 =	vld [tilespmem:s0+$0x9600];
	v16 =	vadd.f32 v9, v14;
	v15 =	vadd.f32 v8, v13  }
0x4c: {  	v20 =	vld [tilespmem:s1+$0x63C0];
	v10 =	vadd.f32 v10, v11  }
0x4d: {  	v22 =	vld [tilespmem:s1+$0x63A0];
	v15 =	vadd.f32 v15, v16  }
0x4e: {  	v12 =	vld [tilespmem:s0+$0x63E0];
	(xrf2) =	vadd.scan.msk.f32 $0xffff, v10  }
0x4f: {  	v11 =	vld [tilespmem:s0+$0x6400];
	(xrf2) =	vadd.scan.msk.f32 $0xffff, v15  }
0x50: {  	v16 =	vld [tilespmem:s0+$0x63D0]  }
0x51: {  	v15 =	vld [tilespmem:s0+$0x95E0]  }
0x52: {  	v10 =	vld [tilespmem:s0+$0x95F0]  }
0x53: {  	v21 =	vld [tilespmem:s1+$0x63B0]  }
0x54: {  	v25 =	vld [tilespmem:s1+$0x95A0]  }
0x55: {  	v27 =	vld [tilespmem:s1+$0x9590]  }
0x56: {  	v18 =	vadd.f32 v16, v18;
	v16 =	vld [tilespmem:s1+$0x6390];
	v15 =	vadd.f32 v12, v15  }
0x57: {  	v12 =	vadd.f32 v17, v10;
	v17 =	vadd.f32 v11, v19;
	v19 =	vld [tilespmem:s1+$0x95B0]  }
0x58: {  	v10 =	vld [tilespmem:s1+$0x95C0];
	v11 =	vadd.f32 v15, v18;
	v23, _, _ =	vpop (xrf2)  }
0x59: {  	v24 =	vadd.f32 v17, v12;
	v26, _, _ =	vpop (xrf2);
	(v2sf) =	vpush v23, $0xF  }
0x5a: {  	(v2sf) =	vpush v26, $0xF  }
0x5b: {  	v11 =	vadd.f32 v24, v11  }
0x5c: {  	v24 =	vadd.f32 v16, v27;
	v21 =	vadd.f32 v21, v19  }
0x5d: {  	v29 =	vmul.f32 v12, v12;
	v23 =	vadd.f32 v22, v25;
	v16 =	vadd.f32 v20, v10;
	(xrf2) =	vadd.scan.msk.f32 $0xffff, v11  }
0x5e: {  	v30 =	vld [tilespmem:s1+$0x95F0];
	v28 =	vmul.f32 v24, v24;
	v20 =	vmul.f32 v21, v21  }
0x5f: {  	v33 =	vld [tilespmem:s1+$0x95D0];
	v25 =	vmul.f32 v23, v23;
	v27 =	vmul.f32 v16, v16  }
0x60: {  	v19 =	vmul.f32 v15, v15;
	v22 =	vld [tilespmem:s1+$0x63E0];
	v11 =	vmul.f32 v18, v18;
	v31 =	vadd.f32 v16, v21  }
0x61: {  	v10 =	vld [tilespmem:s1+$0x63F0];
	v20 =	vadd.f32 v27, v20;
	v25 =	vadd.f32 v25, v28;
	v27 =	vmul.f32 v17, v17  }
0x62: {  	v26 =	vld [tilespmem:s1+$0x6400];
	v32 =	vadd.f32 v23, v24;
	v11 =	vadd.f32 v19, v11  }
0x63: {  	v19 =	vld [tilespmem:s1+$0x63D0];
	v20 =	vadd.f32 v20, v25;
	v25 =	vadd.f32 v27, v29  }
0x64: {  	v28 =	vld [tilespmem:s1+$0x95E0];
	v29 =	vadd.f32 v31, v32  }
0x65: {  	v27 =	vld [tilespmem:s1+$0x9600];
	(xrf2) =	vadd.scan.msk.f32 $0xffff, v20;
	v11 =	vadd.f32 v25, v11  }
0x66: {  	(xrf2) =	vadd.scan.msk.f32 $0xffff, v29  }
0x67: {  	v31, _, _ =	vpop (xrf2);
	(xrf2) =	vadd.scan.msk.f32 $0xffff, v11  }
0x68: {  	(v2sf) =	vpush v31, $0xF;
	s3 =	spop (v2sf)  }
0x69: {  	v10 =	vadd.f32 v10, v30;
	v35 =	vadd.f32 v19, v33;
	s13 =	spop (v2sf)  }
0x6a: {  	v11 =	vadd.f32 v22, v28;
	v26 =	vadd.f32 v26, v27;
	s13 =	smul.f32 $1.562500000e-02, s13  }
0x6b: {  	s14 =	smul.f32 $1.562500000e-02, s3;
	s3 =	simm.s32 $0x170  }
0x6c: {  	v19 =	vadd.f32 v11, v35;
	v20 =	vadd.f32 v26, v10;
	v25 =	vld [tilespmem:s3+$0x63E0];
	s15 =	smul.f32 s13, s13  }
0x6d: {  	v27 =	vld [tilespmem:s3+$0x63C0]  }
0x6e: {  	v19 =	vadd.f32 v20, v19;
	v20 =	vld [tilespmem:s3+$0x63A0];
	s14 =	ssub.f32 s14, s15  }
0x6f: {  	v28 =	vld [tilespmem:s3+$0x63F0];
	v29, _, _ =	vpop (xrf2)  }
0x70: {  	v22 =	vld [tilespmem:s3+$0x63B0];
	v31, _, _ =	vpop (xrf2);
	s14 =	sadd.f32 $9.999999960e-13, s14  }
0x71: {  	v57 =	vld [tilespmem:s3+$0x95C0];
	(xrf2) =	vadd.scan.msk.f32 $0xffff, v19;
	(v2sf) =	vpush v29, $0xF;
	v29, _, _ =	vpop (xrf2)  }
0x72: {  	v36 =	vld [tilespmem:s3+$0x95B0];
	(v2sf) =	vpush v29, $0xF;
	v30 =	vmov s14  }
0x73: {  	v37 =	vld [tilespmem:s3+$0x9590];
	(v2sf) =	vpush v31, $0xF;
	v58 =	vshrl.u32 v30, $0x1;
	v30 =	vmul.f32 $5.000000000e-01, v30  }
0x74: {  	v34 =	vmul.f32 v35, v35;
	v39 =	vld [tilespmem:s3+$0x63D0];
	v29 =	vmul.f32 v11, v11;
	v33 =	vsub.s32 $0x5F3759DF, v58  }
0x75: {  	v19 =	vld [tilespmem:s3+$0x6390];
	v38 =	vmul.f32 v33, v30  }
0x76: {  	v31 =	vld [tilespmem:s3+$0x95A0];
	v34 =	vadd.f32 v29, v34;
	v29 =	vmov s13  }
0x77: {  	v41 =	vsub.f32 v9, v29;
	v9 =	vld [tilespmem:s3+$0x95F0];
	s20 =	spop (v2sf);
	v38 =	vmul.f32 v33, v38  }
0x78: {  	v40 =	vsub.f32 v14, v29;
	v43 =	vsub.f32 v13, v29;
	v13 =	vld [tilespmem:s3+$0x95E0];
	s22 =	smul.f32 $1.562500000e-02, s20  }
0x79: {  	v44 =	vsub.f32 v8, v29;
	v29 =	vld [tilespmem:s3+$0x95D0];
	v38 =	vsub.f32 $1.500000000e+00, v38  }
0x7a: {  	v19 =	vadd.f32 v19, v37;
	v14 =	vadd.f32 v22, v36;
	v45 =	vmov s22  }
0x7b: {  	v8, _, _ =	vpop (xrf2);
	v22 =	vsub.f32 v17, v45;
	v17 =	vadd.f32 v20, v31;
	v31 =	vmul.f32 v33, v38  }
0x7c: {  	v37 =	vmul.f32 v19, v19;
	(v2sf) =	vpush v8, $0xF;
	v20 =	vadd.f32 v27, v57  }
0x7d: {  	v59 =	vmul.f32 v14, v14;
	v8 =	vadd.f32 v28, v9;
	v30 =	vmul.f32 v31, v30  }
0x7e: {  	v60 =	vld [tilespmem:s3+$0x6400];
	v9 =	vadd.f32 v25, v13;
	v13 =	vadd.f32 v39, v29;
	v28 =	vmul.f32 v20, v20  }
0x7f: {  	v61 =	vld [tilespmem:s3+$0x9600];
	v25 =	vsub.f32 v18, v45;
	v27 =	vmul.f32 v17, v17;
	v30 =	vmul.f32 v30, v31  }
0x80: {  	v42 =	vmul.f32 v10, v10;
	v56 =	vadd.f32 v9, v13;
	s8 =	spop (v2sf);
	v18 =	vadd.f32 v28, v59  }
0x81: {  	s14 =	smul.f32 s22, s22;
	v27 =	vadd.f32 v27, v37;
	v28 =	vmul.f32 v26, v26;
	s17 =	spop (v2sf);
	v30 =	vsub.f32 $1.500000000e+00, v30  }
0x82: {  	s13 =	simm.s32 $0x1F0;
	v39 =	vmul.f32 v13, v13;
	v62 =	vadd.f32 v20, v14;
	v46 =	vadd.f32 v17, v19;
	s19 =	spop (v2sf);
	s17 =	smul.f32 $1.562500000e-02, s17  }
0x83: {  	v47 =	vld [tilespmem:s13+$0x63A0];
	v27 =	vadd.f32 v18, v27;
	v28 =	vadd.f32 v28, v42;
	s19 =	smul.f32 $1.562500000e-02, s19;
	v42 =	vmul.f32 v30, v31  }
0x84: {  	v48 =	vld [tilespmem:s13+$0x63F0];
	v18 =	vadd.f32 v60, v61;
	v30 =	vmul.f32 v9, v9;
	v31 =	vadd.f32 v62, v46  }
0x85: {  	v63 =	vld [tilespmem:s13+$0x63B0];
	s15 =	smul.f32 $1.562500000e-02, s8;
	(xrf2) =	vadd.scan.msk.f32 $0xffff, v27;
	v27 =	vadd.f32 v28, v34;
	s14 =	ssub.f32 s17, s14;
	v59 =	vmov s19;
	v28 =	vmul.f32 v42, v43  }
0x86: {  	v49 =	vld [tilespmem:s13+$0x9590];
	s20 =	smul.f32 s19, s19;
	v32 =	vadd.f32 v30, v39;
	v30 =	vadd.f32 v18, v8;
	(xrf2) =	vadd.scan.msk.f32 $0xffff, v31;
	v31 =	vmul.f32 v42, v40  }
0x87: {  	v50 =	vld [tilespmem:s13+$0x95A0];
	v29 =	vmul.f32 v8, v8;
	s14 =	sadd.f32 $9.999999960e-13, s14;
	v33 =	vsub.f32 v16, v59;
	v58 =	vmul.f32 v42, v44  }
0x88: {  	v57 =	vld [tilespmem:s13+$0x6390];
	s15 =	ssub.f32 s15, s20;
	(xrf2) =	vadd.scan.msk.f32 $0xffff, v27;
	v27 =	vmul.f32 v28, v2;
	v28 =	vadd.f32 v30, v56;
	v31 =	vmul.f32 v31, v0  }
0x89: {  	v38 =	vld [tilespmem:s13+$0x63E0];
	v30 =	vsub.f32 v24, v59;
	v24 =	vsub.f32 v23, v59;
	v23 =	vmul.f32 v58, v3  }
0x8a: {  	v60 =	vld [tilespmem:s13+$0x95B0];
	s15 =	sadd.f32 $9.999999960e-13, s15;
	v61 =	vadd.f32 v31, v4;
	v31 =	vsub.f32 v21, v59;
	v21 =	vmov s14  }
0x8b: {  	v37 =	vld [tilespmem:s13+$0x63C0];
	s22 =	spop (v2sf);
	v42 =	vmul.f32 v42, v41;
	v27 =	vadd.f32 v27, v6;
	v51 =	vshrl.u32 v21, $0x1  }
0x8c: {  	v46 =	vld [tilespmem:s13+$0x6400];
	s14 =	smul.f32 $1.562500000e-02, s22;
	(xrf2) =	vadd.scan.msk.f32 $0xffff, v28;
	v52 =	vmul.f32 $5.000000000e-01, v21;
	v21 =	vadd.f32 v23, v7;
	v23 =	vmov s15  }
0x8d: {  	v39 =	vld [tilespmem:s13+$0x95C0];
	[tilespmem:s0+$0xF9B0] =	vst v27;
	v16 =	vsub.s32 $0x5F3759DF, v51;
	v51 =	vsub.f32 v15, v45;
	v45 =	vsub.f32 v12, v45  }
0x8e: {  	v12 =	vshrl.u32 v23, $0x1;
	v53 =	vmul.f32 $5.000000000e-01, v23;
	v28 =	vmov s14;
	v15 =	vld [tilespmem:s13+$0x63D0];
	[tilespmem:s0+$0xF9C0] =	vst v21  }
0x8f: {  	v62, _, _ =	vpop (xrf2);
	v23 =	vadd.f32 v63, v60;
	v27 =	vmul.f32 v16, v52;
	v44 =	vsub.s32 $0x5F3759DF, v12;
	v21 =	vld [tilespmem:s13+$0x95F0];
	[tilespmem:s0+$0xF990] =	vst v61  }
0x90: {  	(v2sf) =	vpush v62, $0xF;
	v34 =	vsub.f32 v26, v28;
	v56 =	vmul.f32 v44, v53;
	v54 =	vld [tilespmem:s13+$0x95E0]  }
0x91: {  	v26 =	vadd.f32 v47, v50;
	v12 =	vmul.f32 v16, v27;
	v27 =	vadd.f32 v57, v49;
	v57 =	vld [tilespmem:s13+$0x95D0];
	v63, _, _ =	vpop (xrf2)  }
0x92: {  	v42 =	vmul.f32 v42, v1;
	v36 =	vsub.f32 v35, v28;
	v40 =	vmul.f32 v44, v56;
	v58, _, _ =	vpop (xrf2)  }
0x93: {  	v50 =	vmul.f32 v26, v26;
	v62 =	vld [tilespmem:s13+$0x9600];
	v12 =	vsub.f32 $1.500000000e+00, v12;
	(v2sf) =	vpush v58, $0xF  }
0x94: {  	v60 =	vsub.f32 $1.500000000e+00, v40;
	v58 =	vmul.f32 v27, v27;
	(v2sf) =	vpush v63, $0xF  }
0x95: {  	v49 =	vmul.f32 v16, v12;
	v16 =	vadd.f32 v48, v21;
	v21 =	vadd.f32 v37, v39  }
0x96: {  	v59 =	vmul.f32 v23, v23;
	v12 =	vadd.f32 v38, v54;
	v15 =	vadd.f32 v15, v57  }
0x97: {  	v39 =	vmul.f32 v44, v60;
	v48 =	vadd.f32 v50, v58;
	v61 =	vmul.f32 v49, v52  }
0x98: {  	v57, _, _ =	vpop (xrf2);
	v35 =	vadd.f32 v46, v62;
	v40 =	vmul.f32 v16, v16;
	v63 =	vmul.f32 v21, v21  }
0x99: {  	v43 =	vadd.f32 v21, v23;
	(v2sf) =	vpush v57, $0xF;
	v37 =	vmul.f32 v61, v49  }
0x9a: {  	v41 =	vadd.f32 v12, v15;
	v60 =	vmul.f32 v39, v53;
	v38 =	vadd.f32 v63, v59  }
0x9b: {  	v56 =	vmul.f32 v15, v15;
	v59 =	vadd.f32 v26, v27;
	v37 =	vsub.f32 $1.500000000e+00, v37  }
0x9c: {  	v61 =	vmul.f32 v12, v12;
	v62 =	vmul.f32 v60, v39;
	v63 =	vadd.f32 v38, v48  }
0x9d: {  	v38 =	vadd.f32 v42, v5;
	v47 =	vadd.f32 v43, v59;
	v44 =	vmul.f32 v37, v49  }
0x9e: {  	v43 =	vadd.f32 v61, v56;
	v48 =	vadd.f32 v35, v16;
	v49 =	vmul.f32 v18, v18  }
0x9f: {  	s20 =	simm.s32 $0x9C0;
	v46 =	vsub.f32 $1.500000000e+00, v62;
	(xrf2) =	vadd.scan.msk.f32 $0xffff, v63;
	s19 =	spop (v2sf);
	v42 =	vmul.f32 v44, v45;
	v45 =	vmul.f32 v44, v51  }
.LBB2_3:
0xa0: {  	v37 =	vmov v35;
	v49 =	vadd.f32 v49, v29;
	v29 =	vmov v40;
	s15 =	smov.u32 s20  }
0xa1: {  	s17 =	sshra.s32 s20, $0x2;
	s19 =	smul.f32 $1.562500000e-02, s19;
	[tilespmem:s0+$0xF9A0] =	vst v38;
	v38 =	vmul.f32 v44, v25;
	v44 =	vmul.f32 v44, v22;
	v22 =	vmovc v34;
	v25 =	vmov v36;
	s15 =	sadd.s32 $0x200, s20  }
0xa2: {  	p1 =	sne.s32 s20, $0xC7C0;
	s14 =	smul.f32 s14, s14;
	v34 =	vadd.f32 v48, v41;
	v36 =	vmul.f32 v46, v39;
	v39 =	vmul.f32 v45, v1;
	v35 =	vld [tilespmem:s17+$0x63E0];
	s20 =	spop (v2sf)  }
0xa3: {  	v42 =	vmul.f32 v42, v2;
	v41 =	vadd.f32 v49, v32;
	v40 =	vld [tilespmem:s17+$0x63C0];
	(xrf2) =	vadd.scan.msk.f32 $0xffff, v47;
	s22 =	spop (v2sf);
	s20 =	smul.f32 $1.562500000e-02, s20;
	v38 =	vmul.f32 v38, v0  }
0xa4: {  	v32 =	vmovc v43;
	v30 =	vmul.f32 v36, v30;
	v39 =	vadd.f32 v39, v5;
	v44 =	vmul.f32 v44, v3;
	v45 =	vld [tilespmem:s17+$0x63A0];
	s22 =	smul.f32 $1.562500000e-02, s22  }
0xa5: {  	v31 =	vmul.f32 v36, v31;
	v33 =	vmul.f32 v36, v33;
	v43 =	vld [tilespmem:s17+$0x63F0];
	s14 =	ssub.f32 s20, s14;
	v38 =	vadd.f32 v38, v4  }
0xa6: {  	v44 =	vadd.f32 v44, v7;
	v46 =	vld [tilespmem:s17+$0x63B0];
	s20 =	smul.f32 s22, s22;
	v47 =	vmov s22;
	(xrf2) =	vadd.scan.msk.f32 $0xffff, v41;
	v41 =	vmul.f32 v30, v0  }
0xa7: {  	v52 =	vmul.f32 v31, v2;
	v48 =	vld [tilespmem:s17+$0x6390];
	v30 =	vsub.f32 v19, v47;
	s14 =	sadd.f32 $9.999999960e-13, s14;
	[tilespmem:s0+$0xF9D0] =	vst v38;
	v38 =	vadd.f32 v42, v6  }
0xa8: {  	v53 =	vmul.f32 v33, v3;
	v49 =	vsub.f32 v17, v47;
	v42 =	vld [tilespmem:s17+$0x95C0];
	s19 =	ssub.f32 s19, s20;
	v41 =	vadd.f32 v41, v4;
	[tilespmem:s0+$0xFA00] =	vst v44  }
0xa9: {  	v31 =	vsub.f32 v14, v47;
	v50 =	vadd.f32 v52, v6;
	v14 =	vmovc v23;
	v19 =	vmovc v27;
	v44 =	vld [tilespmem:s17+$0x95B0];
	v51 =	vmov s14;
	[tilespmem:s0+$0xF9F0] =	vst v38  }
0xaa: {  	v33 =	vsub.f32 v20, v47;
	v38 =	vld [tilespmem:s17+$0x6400];
	v27, _, _ =	vpop (xrf2);
	s19 =	sadd.f32 $9.999999960e-13, s19;
	s14 =	spop (v2sf);
	v20 =	vshrl.u32 v51, $0x1;
	v47 =	vmul.f32 $5.000000000e-01, v51;
	[tilespmem:s0+$0xF9E0] =	vst v39;
	s0 =	smov.u32 s1  }
0xab: {  	v23 =	vadd.f32 v53, v7;
	v52 =	vsub.f32 v11, v28;
	v17 =	vmovc v26;
	s1 =	smov.u32 s3;
	s3 =	smov.u32 s13;
	v39 =	vld [tilespmem:s17+$0x9590];
	(xrf2) =	vadd.scan.msk.f32 $0xffff, v34;
	s14 =	smul.f32 $1.562500000e-02, s14;
	v51 =	vsub.s32 $0x5F3759DF, v20  }
0xac: {  	s13 =	smov.u32 s17;
	v26 =	vld [tilespmem:s17+$0x95A0];
	v11 =	vmov s19;
	[tilespmem:s0+$0xF9B0] =	vst v50;
	v55 =	vmul.f32 v51, v47;
	v50 =	vsub.f32 v10, v28;
	v10 =	vmovc v8;
	v8 =	vmovc v16  }
0xad: {  	v53 =	vld [tilespmem:s13+$0x63D0];
	v16, _, _ =	vpop (xrf2);
	v34 =	vshrl.u32 v11, $0x1;
	v54 =	vmul.f32 $5.000000000e-01, v11;
	v28 =	vmov s14;
	[tilespmem:s0+$0xF9C0] =	vst v23  }
0xae: {  	v20 =	vmovc v21;
	v23 =	vadd.f32 v46, v44;
	v44 =	vld [tilespmem:s13+$0x95F0];
	v46 =	vsub.s32 $0x5F3759DF, v34;
	[tilespmem:s0+$0xF990] =	vst v41;
	v41 =	vmul.f32 v51, v55  }
0xaf: {  	v34 =	vsub.f32 v18, v28;
	v55 =	vld [tilespmem:s13+$0x95E0];
	(v2sf) =	vpush v27, $0xF;
	v21 =	vmul.f32 v46, v54;
	v11 =	vmovc v9;
	v9 =	vmovc v12  }
0xb0: {  	v27 =	vadd.f32 v48, v39;
	v39 =	vld [tilespmem:s13+$0x95D0];
	v12, _, _ =	vpop (xrf2);
	v48 =	vmul.f32 v36, v24;
	v36 =	vsub.f32 $1.500000000e+00, v41  }
0xb1: {  	v18 =	vmovc v37;
	v24 =	vmovc v49;
	v26 =	vadd.f32 v45, v26;
	v45 =	vld [tilespmem:s13+$0x9600];
	v21 =	vmul.f32 v46, v21;
	(v2sf) =	vpush v12, $0xF  }
0xb2: {  	v49 =	vmul.f32 v23, v23;
	(v2sf) =	vpush v16, $0xF;
	v51 =	vmul.f32 v51, v36  }
0xb3: {  	v56 =	vmul.f32 v26, v26;
	v16 =	vadd.f32 v43, v44;
	v43 =	vsub.f32 $1.500000000e+00, v21  }
0xb4: {  	v21 =	vadd.f32 v40, v42;
	v12 =	vadd.f32 v35, v55;
	v35 =	vmul.f32 v51, v47  }
0xb5: {  	v36 =	vsub.f32 v13, v28;
	v42 =	vadd.f32 v53, v39;
	v40 =	vmul.f32 v16, v16;
	v44, _, _ =	vpop (xrf2)  }
0xb6: {  	v13 =	vmovc v15;
	v47 =	vadd.f32 v21, v23;
	v53 =	vmul.f32 v21, v21;
	v35 =	vmul.f32 v35, v51  }
0xb7: {  	v39 =	vmul.f32 v46, v43;
	v41 =	vadd.f32 v12, v42;
	v55 =	vmul.f32 v42, v42;
	v15 =	vmovc v42  }
0xb8: {  	v42 =	vmul.f32 v27, v27;
	v43 =	vadd.f32 v53, v49;
	v46 =	vsub.f32 $1.500000000e+00, v35  }
0xb9: {  	v53 =	vadd.f32 v26, v27;
	(v2sf) =	vpush v44, $0xF;
	v44 =	vmul.f32 v39, v54  }
.Ltmp2:
0xba: {  	v48 =	vmul.f32 v48, v1;
	v42 =	vadd.f32 v56, v42;
	v54 =	vmul.f32 v12, v12;
	(pc) =	sbr.rel @p1 .LBB2_3-.Ltmp2, $4  }
0xbb: {  	v35 =	vadd.f32 v38, v45;
	v45 =	vmul.f32 v44, v39;
	v44 =	vmul.f32 v46, v51  }
0xbc: {  	v49 =	vmul.f32 v37, v18;
	v38 =	vadd.f32 v48, v5;
	v46 =	vadd.f32 v43, v42  }
0xbd: {  	v47 =	vadd.f32 v47, v53;
	v43 =	vadd.f32 v54, v55;
	v42 =	vmul.f32 v44, v50  }
0xbe: {  	s20 =	smov.u32 s15;
	v48 =	vadd.f32 v35, v16;
	(xrf2) =	vadd.scan.msk.f32 $0xffff, v46;
	s19 =	spop (v2sf);
	v46 =	vsub.f32 $1.500000000e+00, v45;
	v45 =	vmul.f32 v44, v52  }
0xbf: {  	v29 =	vadd.f32 v49, v29;
	_ =	sdelay $0x1  }
0xc0: {  	v29 =	vadd.f32 v29, v32  }
0xc1: {  	(xrf2) =	vadd.scan.msk.f32 $0xffff, v47  }
0xc2: {  	(xrf2) =	vadd.scan.msk.f32 $0xffff, v29;
	_ =	sdelay $0x1  }
0xc3: {  	v29 =	vmul.f32 v35, v35;
	_ =	sdelay $0x1  }
0xc4: {  	v29 =	vadd.f32 v29, v40  }
0xc5: {  	v50 =	vadd.f32 v48, v41  }
0xc6: {  	s14 =	smul.f32 s14, s14;
	s15 =	spop (v2sf);
	v29 =	vadd.f32 v29, v43  }
0xc7: {  	s15 =	smul.f32 $1.562500000e-02, s15;
	s17 =	spop (v2sf);
	v37, _, _ =	vpop (xrf2);
	(xrf2) =	vadd.scan.msk.f32 $0xffff, v50  }
0xc8: {  	s17 =	smul.f32 $1.562500000e-02, s17;
	(xrf2) =	vadd.scan.msk.f32 $0xffff, v29  }
0xc9: {  	s22 =	smul.f32 $1.562500000e-02, s19;
	s14 =	ssub.f32 s15, s14;
	v51, _, _ =	vpop (xrf2)  }
0xca: {  	s8 =	smul.f32 s17, s17;
	(v2sf) =	vpush v37, $0xF;
	v52, _, _ =	vpop (xrf2)  }
0xcb: {  	v25 =	vmul.f32 v44, v25;
	s14 =	sadd.f32 $9.999999960e-13, s14;
	(v2sf) =	vpush v52, $0xF  }
0xcc: {  	v22 =	vmul.f32 v44, v22;
	v56 =	vmul.f32 v42, v2;
	s15 =	ssub.f32 s22, s8  }
0xcd: {  	v11 =	vsub.f32 v11, v28;
	v53 =	vmov s14;
	(v2sf) =	vpush v51, $0xF  }
0xce: {  	v10 =	vsub.f32 v10, v28;
	v55 =	vshrl.u32 v53, $0x1;
	s19 =	sadd.f32 $9.999999960e-13, s15;
	v37 =	vmul.f32 $5.000000000e-01, v53  }
0xcf: {  	v54 =	vmul.f32 v45, v1;
	v29 =	vmul.f32 v46, v39;
	v39 =	vsub.s32 $0x5F3759DF, v55  }
0xd0: {  	v25 =	vmul.f32 v25, v0;
	v58 =	vmov s19;
	v57 =	vmul.f32 v39, v37  }
0xd1: {  	v22 =	vmul.f32 v22, v3;
	v32 =	vadd.f32 v54, v5;
	v59 =	vshrl.u32 v58, $0x1;
	v60, _, _ =	vpop (xrf2)  }
0xd2: {  	v42 =	vmul.f32 $5.000000000e-01, v58;
	v41 =	vmul.f32 v39, v57;
	(v2sf) =	vpush v60, $0xF;
	v63, _, _ =	vpop (xrf2)  }
0xd3: {  	v25 =	vadd.f32 v25, v4;
	v43 =	vsub.s32 $0x5F3759DF, v59;
	(v2sf) =	vpush v63, $0xF  }
0xd4: {  	v62 =	vmov s17;
	v61 =	vmul.f32 v43, v42;
	v41 =	vsub.f32 $1.500000000e+00, v41  }
0xd5: {  	v22 =	vadd.f32 v22, v7;
	v19 =	vsub.f32 v19, v62  }
0xd6: {  	v40 =	vadd.f32 v56, v6;
	v44 =	vmul.f32 v43, v61;
	v39 =	vmul.f32 v39, v41  }
0xd7: {  	v17 =	vsub.f32 v17, v62;
	v14 =	vsub.f32 v14, v62;
	s20 =	spop (v2sf)  }
0xd8: {  	s14 =	smul.f32 $1.562500000e-02, s20;
	v30 =	vmul.f32 v29, v30;
	v48 =	vsub.f32 $1.500000000e+00, v44;
	v37 =	vmul.f32 v39, v37  }
0xd9: {  	v20 =	vsub.f32 v20, v62;
	v31 =	vmul.f32 v29, v31;
	v33 =	vmul.f32 v29, v33;
	s15 =	spop (v2sf)  }
0xda: {  	s22 =	smul.f32 s14, s14;
	v28 =	vmov s14;
	v41 =	vmul.f32 v43, v48;
	v37 =	vmul.f32 v37, v39;
	s8 =	spop (v2sf)  }
0xdb: {  	v24 =	vmul.f32 v29, v24;
	v18 =	vsub.f32 v18, v28;
	v13 =	vsub.f32 v13, v28;
	s19 =	smul.f32 $1.562500000e-02, s8  }
0xdc: {  	v30 =	vmul.f32 v30, v0;
	v42 =	vmul.f32 v41, v42;
	v37 =	vsub.f32 $1.500000000e+00, v37;
	s20 =	spop (v2sf)  }
0xdd: {  	v9 =	vsub.f32 v9, v28;
	v31 =	vmul.f32 v31, v2;
	v33 =	vmul.f32 v33, v3;
	s20 =	smul.f32 $1.562500000e-02, s20;
	s17 =	ssub.f32 s19, s22  }
0xde: {  	v8 =	vsub.f32 v8, v28;
	v29 =	vmul.f32 v42, v41;
	v37 =	vmul.f32 v37, v39;
	s19 =	smul.f32 $1.562500000e-02, s15  }
0xdf: {  	v24 =	vmul.f32 v24, v1;
	v30 =	vadd.f32 v30, v4;
	v31 =	vadd.f32 v31, v6;
	s22 =	smul.f32 s20, s20;
	s17 =	sadd.f32 $9.999999960e-13, s17  }
0xe0: {  	v33 =	vadd.f32 v33, v7;
	v29 =	vsub.f32 $1.500000000e+00, v29;
	v10 =	vmul.f32 v37, v10  }
0xe1: {  	v11 =	vmul.f32 v37, v11;
	v36 =	vmul.f32 v37, v36;
	s8 =	spop (v2sf);
	s14 =	ssub.f32 s19, s22;
	v49 =	vmov s17  }
0xe2: {  	v34 =	vmul.f32 v37, v34;
	s19 =	smul.f32 $1.562500000e-02, s8;
	s22 =	spop (v2sf);
	v50 =	vshrl.u32 v49, $0x1;
	v37 =	vmul.f32 $5.000000000e-01, v49  }
0xe3: {  	v29 =	vmul.f32 v29, v41;
	v11 =	vmul.f32 v11, v1;
	s17 =	smul.f32 $1.562500000e-02, s22;
	s14 =	sadd.f32 $9.999999960e-13, s14;
	v39 =	vsub.s32 $0x5F3759DF, v50  }
0xe4: {  	v24 =	vadd.f32 v24, v5;
	v36 =	vmul.f32 v36, v0;
	s15 =	smul.f32 s19, s19;
	v51 =	vmul.f32 v39, v37  }
0xe5: {  	v10 =	vmul.f32 v10, v2;
	v19 =	vmul.f32 v29, v19;
	v52 =	vmov s14  }
0xe6: {  	s15 =	ssub.f32 s17, s15;
	v53 =	vshrl.u32 v52, $0x1;
	v42 =	vmul.f32 $5.000000000e-01, v52;
	v41 =	vmul.f32 v39, v51  }
0xe7: {  	v34 =	vmul.f32 v34, v3;
	v14 =	vmul.f32 v29, v14;
	v43 =	vsub.s32 $0x5F3759DF, v53  }
0xe8: {  	v20 =	vmul.f32 v29, v20;
	s15 =	sadd.f32 $9.999999960e-13, s15;
	v54 =	vmul.f32 v43, v42;
	v41 =	vsub.f32 $1.500000000e+00, v41  }
0xe9: {  	v17 =	vmul.f32 v29, v17;
	v11 =	vadd.f32 v11, v5;
	v55 =	vmov s20  }
0xea: {  	v57 =	vmov s15;
	v44 =	vmul.f32 v43, v54;
	v39 =	vmul.f32 v39, v41  }
0xeb: {  	[tilespmem:s0+$0xF9D0] =	vst v25;
	v25 =	vsub.f32 v26, v55;
	v26 =	vshrl.u32 v57, $0x1;
	v41 =	vmul.f32 $5.000000000e-01, v57  }
0xec: {  	v26 =	vsub.s32 $0x5F3759DF, v26;
	v56 =	vsub.f32 $1.500000000e+00, v44;
	v37 =	vmul.f32 v39, v37  }
0xed: {  	[tilespmem:s0+$0xF9A0] =	vst v38;
	v36 =	vadd.f32 v36, v4;
	v19 =	vmul.f32 v19, v0;
	v59 =	vmul.f32 v26, v41  }
0xee: {  	[tilespmem:s0+$0xFA00] =	vst v22;
	v34 =	vadd.f32 v34, v7;
	v58 =	vmul.f32 v43, v56;
	v22 =	vmul.f32 v37, v39  }
0xef: {  	[tilespmem:s0+$0xF9E0] =	vst v32;
	v14 =	vmul.f32 v14, v2;
	v10 =	vadd.f32 v10, v6;
	v20 =	vmul.f32 v20, v3  }
0xf0: {  	[tilespmem:s0+$0xF9F0] =	vst v40;
	v29 =	vmul.f32 v26, v59;
	v60 =	vmul.f32 v58, v42;
	v22 =	vsub.f32 $1.500000000e+00, v22  }
0xf1: {  	[tilespmem:s1+$0xF9B0] =	vst v31;
	v17 =	vmul.f32 v17, v1;
	v19 =	vadd.f32 v19, v4;
	v14 =	vadd.f32 v14, v6  }
0xf2: {  	[tilespmem:s1+$0xF9C0] =	vst v33;
	v29 =	vsub.f32 $1.500000000e+00, v29;
	v28 =	vmul.f32 v60, v58;
	v22 =	vmul.f32 v22, v39  }
0xf3: {  	[tilespmem:s1+$0xF990] =	vst v30;
	v20 =	vadd.f32 v20, v7;
	v17 =	vadd.f32 v17, v5  }
0xf4: {  	[tilespmem:s1+$0xF9A0] =	vst v24;
	v26 =	vmul.f32 v26, v29;
	v24 =	vsub.f32 $1.500000000e+00, v28;
	v8 =	vmul.f32 v22, v8  }
0xf5: {  	[tilespmem:s1+$0xF9D0] =	vst v36;
	v27 =	vsub.f32 v27, v55;
	v9 =	vmul.f32 v22, v9;
	v13 =	vmul.f32 v22, v13  }
0xf6: {  	[tilespmem:s1+$0xFA00] =	vst v34;
	v23 =	vsub.f32 v23, v55;
	v18 =	vmul.f32 v22, v18;
	v22 =	vmul.f32 v24, v58  }
0xf7: {  	[tilespmem:s1+$0xF9F0] =	vst v10;
	v21 =	vsub.f32 v21, v55;
	v24 =	vmul.f32 v26, v41;
	v9 =	vmul.f32 v9, v1  }
0xf8: {  	[tilespmem:s1+$0xF9E0] =	vst v11;
	v10 =	vmov s19;
	v13 =	vmul.f32 v13, v0;
	v8 =	vmul.f32 v8, v2  }
0xf9: {  	[tilespmem:s3+$0xF9B0] =	vst v14;
	v11 =	vsub.f32 v35, v10;
	v18 =	vmul.f32 v18, v3;
	v24 =	vmul.f32 v24, v26  }
0xfa: {  	[tilespmem:s3+$0xF9C0] =	vst v20;
	v14 =	vsub.f32 v15, v10;
	v15 =	vmul.f32 v22, v27;
	v20 =	vmul.f32 v22, v23  }
0xfb: {  	[tilespmem:s3+$0xF990] =	vst v19;
	v19 =	vmul.f32 v22, v21;
	v13 =	vadd.f32 v13, v4;
	v21 =	vsub.f32 $1.500000000e+00, v24  }
0xfc: {  	[tilespmem:s3+$0xF9A0] =	vst v17;
	v9 =	vadd.f32 v9, v5;
	v17 =	vadd.f32 v18, v7;
	v18 =	vmul.f32 v20, v2  }
0xfd: {  	v8 =	vadd.f32 v8, v6;
	[tilespmem:s3+$0xF9D0] =	vst v13;
	v13 =	vmul.f32 v19, v3;
	v19 =	vmul.f32 v21, v26  }
0xfe: {  	v15 =	vmul.f32 v15, v0;
	[tilespmem:s3+$0xFA00] =	vst v17;
	v17 =	vadd.f32 v18, v6;
	v18 =	vmul.f32 v22, v25  }
0xff: {  	[tilespmem:s3+$0xF9F0] =	vst v8;
	v8 =	vadd.f32 v13, v7;
	v13 =	vsub.f32 v16, v10;
	v14 =	vmul.f32 v19, v14  }
0x100: {  	[tilespmem:s3+$0xF9E0] =	vst v9;
	v9 =	vsub.f32 v12, v10;
	v10 =	vmul.f32 v18, v1;
	v11 =	vmul.f32 v19, v11  }
0x101: {  	v12 =	vadd.f32 v15, v4;
	[tilespmem:s13+$0xF9B0] =	vst v17;
	v13 =	vmul.f32 v19, v13;
	v14 =	vmul.f32 v14, v0  }
0x102: {  	v9 =	vmul.f32 v19, v9;
	[tilespmem:s13+$0xF9C0] =	vst v8;
	v8 =	vadd.f32 v10, v5;
	v10 =	vmul.f32 v11, v3  }
0x103: {  	[tilespmem:s13+$0xF990] =	vst v12;
	v11 =	vmul.f32 v13, v2;
	v12 =	vadd.f32 v14, v4  }
0x104: {  	s0 =	smul.u32 $0x190, s2;
	[tilespmem:s13+$0xF9A0] =	vst v8;
	v8 =	vmul.f32 v9, v1;
	v9 =	vadd.f32 v10, v7  }
0x105: {  	v10 =	vadd.f32 v11, v6;
	[tilespmem:s13+$0xF9D0] =	vst v12  }
0x106: {  	s3 =	sadd.s32 s6, s0;
	v8 =	vadd.f32 v8, v5;
	[tilespmem:s13+$0xFA00] =	vst v9  }
0x107: {  	s1 =	sshll.u32 s3, $0x3;
	[tilespmem:s13+$0xF9F0] =	vst v10  }
0x108: {  	p1 =	seq.s32 s2, $0x3F;
	s1 =	sadd.s32 s4, s1;
	[tilespmem:s13+$0xF9E0] =	vst v8  }
0x109: {  	[hbm4b:s1+s5] =	stream.linear.scatter [tilespmem:s25], [sflag:$0x3], $0x3200, $0x38;
	[tilespmem:$0x15E80] =	vst v63  }
0x10a: {  	s3 =	simm.s32 @!p1 $0x80;
	s13 =	simm.s32 @!p1 $0x9600;
	s1 =	sadd.s32 @!p1 $0x190, s0  }
0x10b: {  	[tilespmem:s13], [sflag:$0x1] =	stream.indirect.gather @!p1 [hbm4b:s7+s3], $0x40, s1, s3, $0xb8;
	[tilespmem:$0x15E80] =	vst v63  }
0x10c: {  	s1 =	sadd.s32 @!p1 $0x210, s0;
	s3 =	simm.s32 @!p1 $0x48;
	s13 =	simm.s32 @!p1 $0xB600  }
0x10d: {  	[tilespmem:s13], [sflag:$0x1] =	stream.indirect.gather @!p1 [hbm4b:s7+s3], $0x40, s1, s3, $0xb8;
	[tilespmem:$0x15E80] =	vst v63  }
0x10e: {  	_ =	swait.ge [sflag:s26], $0x2000  }
0x10f: {  	[sflag:s26] =	ssyncset.done $0x0  }
0x110: {  	[sflag:s26] =	ssyncadd.s32 $0xFFFFE000  }
0x111: {  	_ =	swait.ge [sflag:s26], $0x1200  }
0x112: {  	[sflag:s26] =	ssyncset.done $0x0  }
0x113: {  	s1 =	simm.s32 @!p0 $0x4;
	[sflag:s26] =	ssyncadd.s32 $0xFFFFEE00  }
0x114: {  	_ =	swait.ge @!p0 [sflag:s1], $0x3200  }
0x115: {  	[sflag:s1] =	ssyncset.done @!p0 $0x0  }
0x116: {  	[sflag:s1] =	ssyncadd.s32 @!p0 $0xFFFFCE00;
	s1 =	simm.s32 $0x70  }
0x117: {  	v8 =	vld [tilespmem:s1+$0x63C0]  }
0x118: {  	v9 =	vld [tilespmem:s1+$0x63A0]  }
0x119: {  	v10 =	vld [tilespmem:s1+$0x63B0]  }
0x11a: {  	v11 =	vld [tilespmem:s1+$0x6390]  }
0x11b: {  	v12 =	vld [tilespmem:s1+$0xC7C0]  }
0x11c: {  	v13 =	vld [tilespmem:s1+$0xC7B0]  }
0x11d: {  	v14 =	vld [tilespmem:s1+$0xC7A0]  }
0x11e: {  	v15 =	vld [tilespmem:s1+$0xC790];
	_ =	sdelay $0x3  }
0x11f: {  	v13 =	vadd.f32 v10, v13;
	v9 =	vadd.f32 v9, v14  }
0x120: {  	v14 =	vadd.f32 v11, v15;
	v8 =	vadd.f32 v8, v12  }
0x121: {  	v10 =	vmul.f32 v13, v13;
	v11 =	vmul.f32 v9, v9  }
0x122: {  	v12 =	vmul.f32 v8, v8;
	v15 =	vmul.f32 v14, v14;
	_ =	sdelay $0x1  }
0x123: {  	v10 =	vadd.f32 v12, v10;
	v11 =	vadd.f32 v11, v15  }
0x124: {  	v17 =	vld [tilespmem:s1+$0x63F0];
	v16 =	vadd.f32 v9, v14;
	v15 =	vadd.f32 v8, v13  }
0x125: {  	v18 =	vld [tilespmem:s1+$0xC7D0];
	v10 =	vadd.f32 v10, v11  }
0x126: {  	v19 =	vld [tilespmem:s1+$0xC800];
	v15 =	vadd.f32 v15, v16  }
0x127: {  	v12 =	vld [tilespmem:s1+$0x63E0];
	(xrf2) =	vadd.scan.msk.f32 $0xffff, v10  }
0x128: {  	v11 =	vld [tilespmem:s1+$0x6400];
	(xrf2) =	vadd.scan.msk.f32 $0xffff, v15  }
0x129: {  	v16 =	vld [tilespmem:s1+$0x63D0]  }
0x12a: {  	v15 =	vld [tilespmem:s1+$0xC7E0]  }
0x12b: {  	s3 =	simm.s32 $0xF0;
	v10 =	vld [tilespmem:s1+$0xC7F0]  }
0x12c: {  	v20 =	vld [tilespmem:s3+$0x63C0]  }
0x12d: {  	v22 =	vld [tilespmem:s3+$0x63A0]  }
0x12e: {  	v21 =	vld [tilespmem:s3+$0x63B0]  }
0x12f: {  	v25 =	vld [tilespmem:s3+$0xC7A0];
	v18 =	vadd.f32 v16, v18;
	v15 =	vadd.f32 v12, v15  }
0x130: {  	v27 =	vld [tilespmem:s3+$0xC790];
	v12 =	vadd.f32 v17, v10;
	v17 =	vadd.f32 v11, v19  }
0x131: {  	v16 =	vld [tilespmem:s3+$0x6390];
	v11 =	vadd.f32 v15, v18;
	v23, _, _ =	vpop (xrf2)  }
0x132: {  	v19 =	vld [tilespmem:s3+$0xC7B0];
	v24 =	vadd.f32 v17, v12;
	v26, _, _ =	vpop (xrf2);
	(v2sf) =	vpush v23, $0xF  }
0x133: {  	v10 =	vld [tilespmem:s3+$0xC7C0];
	(v2sf) =	vpush v26, $0xF  }
0x134: {  	v11 =	vadd.f32 v24, v11;
	_ =	sdelay $0x1  }
0x135: {  	(xrf2) =	vadd.scan.msk.f32 $0xffff, v11  }
0x136: {  	v24 =	vadd.f32 v16, v27;
	v21 =	vadd.f32 v21, v19  }
0x137: {  	v30 =	vld [tilespmem:s3+$0xC7F0];
	v29 =	vmul.f32 v12, v12;
	v23 =	vadd.f32 v22, v25;
	v16 =	vadd.f32 v20, v10  }
0x138: {  	v62 =	vld [tilespmem:s3+$0xC7D0];
	v28 =	vmul.f32 v24, v24;
	v20 =	vmul.f32 v21, v21  }
0x139: {  	v22 =	vld [tilespmem:s3+$0x63E0];
	v25 =	vmul.f32 v23, v23;
	v27 =	vmul.f32 v16, v16  }
0x13a: {  	v19 =	vmul.f32 v15, v15;
	v10 =	vld [tilespmem:s3+$0x63F0];
	v11 =	vmul.f32 v18, v18;
	v31 =	vadd.f32 v16, v21  }
0x13b: {  	v26 =	vld [tilespmem:s3+$0x6400];
	v20 =	vadd.f32 v27, v20;
	v25 =	vadd.f32 v25, v28;
	v27 =	vmul.f32 v17, v17  }
0x13c: {  	v61 =	vadd.f32 v23, v24;
	v11 =	vadd.f32 v19, v11;
	v19 =	vld [tilespmem:s3+$0x63D0]  }
0x13d: {  	v28 =	vld [tilespmem:s3+$0xC7E0];
	v20 =	vadd.f32 v20, v25;
	v25 =	vadd.f32 v27, v29  }
0x13e: {  	v27 =	vld [tilespmem:s3+$0xC800];
	v29 =	vadd.f32 v31, v61  }
0x13f: {  	(xrf2) =	vadd.scan.msk.f32 $0xffff, v20;
	v11 =	vadd.f32 v25, v11;
	v31, _, _ =	vpop (xrf2)  }
0x140: {  	(xrf2) =	vadd.scan.msk.f32 $0xffff, v29;
	(v2sf) =	vpush v31, $0xF;
	s8 =	spop (v2sf)  }
0x141: {  	(xrf2) =	vadd.scan.msk.f32 $0xffff, v11;
	s15 =	spop (v2sf)  }
0x142: {  	v10 =	vadd.f32 v10, v30;
	v35 =	vadd.f32 v19, v62;
	s14 =	smul.f32 $1.562500000e-02, s15  }
0x143: {  	v11 =	vadd.f32 v22, v28;
	v26 =	vadd.f32 v26, v27;
	s17 =	smul.f32 $1.562500000e-02, s8  }
0x144: {  	s13 =	simm.s32 $0x170;
	s19 =	smul.f32 s14, s14  }
0x145: {  	v63 =	vld [tilespmem:s13+$0xC7C0];
	v19 =	vadd.f32 v11, v35;
	v20 =	vadd.f32 v26, v10  }
0x146: {  	v49 =	vld [tilespmem:s13+$0xC7B0];
	s15 =	ssub.f32 s17, s19  }
0x147: {  	v50 =	vld [tilespmem:s13+$0xC790];
	v19 =	vadd.f32 v20, v19  }
0x148: {  	v52 =	vld [tilespmem:s13+$0x63D0];
	s15 =	sadd.f32 $9.999999960e-13, s15  }
0x149: {  	v29, _, _ =	vpop (xrf2);
	(xrf2) =	vadd.scan.msk.f32 $0xffff, v19;
	v19 =	vld [tilespmem:s13+$0x6390]  }
0x14a: {  	v25 =	vld [tilespmem:s13+$0x63E0];
	v31, _, _ =	vpop (xrf2);
	v30 =	vmov s15  }
0x14b: {  	v27 =	vld [tilespmem:s13+$0x63C0];
	(v2sf) =	vpush v29, $0xF;
	v29, _, _ =	vpop (xrf2);
	v47 =	vshrl.u32 v30, $0x1;
	v30 =	vmul.f32 $5.000000000e-01, v30  }
0x14c: {  	v48 =	vmul.f32 v35, v35;
	v22 =	vld [tilespmem:s13+$0x63B0];
	(v2sf) =	vpush v29, $0xF;
	v33 =	vsub.s32 $0x5F3759DF, v47  }
0x14d: {  	v20 =	vld [tilespmem:s13+$0x63A0];
	v29 =	vmul.f32 v11, v11;
	(v2sf) =	vpush v31, $0xF;
	v51 =	vmul.f32 v33, v30  }
0x14e: {  	v31 =	vld [tilespmem:s13+$0xC7A0];
	v19 =	vadd.f32 v19, v50  }
0x14f: {  	v28 =	vld [tilespmem:s13+$0x63F0];
	v34 =	vadd.f32 v29, v48;
	v29 =	vmov s14;
	s20 =	spop (v2sf);
	v38 =	vmul.f32 v33, v51  }
0x150: {  	v53 =	vsub.f32 v14, v29;
	v41 =	vsub.f32 v9, v29;
	v9 =	vld [tilespmem:s13+$0xC7F0];
	s22 =	smul.f32 $1.562500000e-02, s20  }
0x151: {  	v56 =	vsub.f32 v13, v29;
	v13 =	vld [tilespmem:s13+$0xC7E0];
	v38 =	vsub.f32 $1.500000000e+00, v38  }
0x152: {  	v57 =	vsub.f32 v8, v29;
	v14 =	vadd.f32 v22, v49;
	v29 =	vld [tilespmem:s13+$0xC7D0];
	v45 =	vmov s22  }
0x153: {  	v22 =	vsub.f32 v17, v45;
	v17 =	vadd.f32 v20, v31;
	v31 =	vmul.f32 v33, v38  }
0x154: {  	v55 =	vmul.f32 v10, v10;
	v37 =	vmul.f32 v19, v19;
	v8, _, _ =	vpop (xrf2);
	v20 =	vadd.f32 v27, v63  }
0x155: {  	v58 =	vmul.f32 v14, v14;
	(v2sf) =	vpush v8, $0xF;
	v30 =	vmul.f32 v31, v30  }
0x156: {  	v59 =	vld [tilespmem:s13+$0x6400];
	v8 =	vadd.f32 v28, v9;
	v9 =	vadd.f32 v25, v13;
	v28 =	vmul.f32 v20, v20  }
0x157: {  	v60 =	vld [tilespmem:s13+$0xC800];
	v13 =	vadd.f32 v52, v29;
	v27 =	vmul.f32 v17, v17;
	v30 =	vmul.f32 v30, v31  }
0x158: {  	v25 =	vsub.f32 v18, v45;
	v29 =	vmul.f32 v8, v8;
	v18 =	vadd.f32 v28, v58  }
0x159: {  	v27 =	vadd.f32 v27, v37;
	v28 =	vmul.f32 v26, v26;
	v30 =	vsub.f32 $1.500000000e+00, v30  }
0x15a: {  	s14 =	simm.s32 $0x1F0;
	v39 =	vmul.f32 v13, v13;
	v61 =	vadd.f32 v20, v14;
	v62 =	vadd.f32 v17, v19;
	s8 =	spop (v2sf)  }
0x15b: {  	v48 =	vld [tilespmem:s14+$0x63F0];
	s15 =	smul.f32 s22, s22;
	v27 =	vadd.f32 v18, v27;
	v28 =	vadd.f32 v28, v55;
	s20 =	spop (v2sf);
	v42 =	vmul.f32 v30, v31  }
0x15c: {  	v43 =	vld [tilespmem:s14+$0x6390];
	v18 =	vadd.f32 v59, v60;
	s22 =	spop (v2sf);
	s19 =	smul.f32 $1.562500000e-02, s20;
	v30 =	vmul.f32 v9, v9;
	v31 =	vadd.f32 v61, v62  }
0x15d: {  	v46 =	vld [tilespmem:s14+$0x6400];
	v54 =	vadd.f32 v9, v13;
	(xrf2) =	vadd.scan.msk.f32 $0xffff, v27;
	v27 =	vadd.f32 v28, v34;
	s20 =	smul.f32 $1.562500000e-02, s22;
	v28 =	vmul.f32 v42, v56  }
0x15e: {  	v50 =	vld [tilespmem:s14+$0xC7A0];
	s17 =	smul.f32 $1.562500000e-02, s8;
	s15 =	ssub.f32 s19, s15;
	v32 =	vadd.f32 v30, v39;
	v30 =	vadd.f32 v18, v8;
	(xrf2) =	vadd.scan.msk.f32 $0xffff, v31;
	v31 =	vmul.f32 v42, v53  }
0x15f: {  	v47 =	vld [tilespmem:s14+$0x63A0];
	s8 =	smul.f32 s20, s20;
	v55 =	vmul.f32 v42, v57;
	v56 =	vmov s20;
	v42 =	vmul.f32 v42, v41  }
0x160: {  	v63 =	vld [tilespmem:s14+$0x63B0];
	s15 =	sadd.f32 $9.999999960e-13, s15;
	(xrf2) =	vadd.scan.msk.f32 $0xffff, v27;
	v33 =	vsub.f32 v16, v56;
	v27 =	vmul.f32 v28, v2;
	v57 =	vadd.f32 v30, v54  }
0x161: {  	v38 =	vld [tilespmem:s14+$0x63E0];
	s17 =	ssub.f32 s17, s8;
	v31 =	vmul.f32 v31, v0;
	v30 =	vsub.f32 v24, v56;
	v24 =	vsub.f32 v23, v56  }
0x162: {  	v37 =	vld [tilespmem:s14+$0x63C0];
	v23 =	vmul.f32 v55, v3;
	v42 =	vmul.f32 v42, v1;
	v27 =	vadd.f32 v27, v6  }
0x163: {  	s17 =	sadd.f32 $9.999999960e-13, s17;
	v28 =	vld [tilespmem:s14+$0xC7B0];
	v59 =	vadd.f32 v31, v4;
	v31 =	vsub.f32 v21, v56;
	v21 =	vmov s15  }
0x164: {  	v58 =	vld [tilespmem:s14+$0xC790];
	s22 =	spop (v2sf);
	(xrf2) =	vadd.scan.msk.f32 $0xffff, v57;
	v51 =	vshrl.u32 v21, $0x1;
	v52 =	vmul.f32 $5.000000000e-01, v21;
	v21 =	vadd.f32 v23, v7  }
0x165: {  	v39 =	vld [tilespmem:s14+$0xC7C0];
	s15 =	smul.f32 $1.562500000e-02, s22;
	v23 =	vmov s17;
	[tilespmem:s1+$0x12BB0] =	vst v27;
	v16 =	vsub.s32 $0x5F3759DF, v51;
	v51 =	vsub.f32 v15, v45  }
0x166: {  	v45 =	vsub.f32 v12, v45;
	v12 =	vshrl.u32 v23, $0x1;
	v44 =	vmul.f32 $5.000000000e-01, v23;
	v15 =	vld [tilespmem:s14+$0x63D0];
	[tilespmem:s1+$0x12BC0] =	vst v21  }
0x167: {  	v53, _, _ =	vpop (xrf2);
	v27 =	vmov s15;
	v60 =	vmul.f32 v16, v52;
	v54 =	vsub.s32 $0x5F3759DF, v12;
	v21 =	vld [tilespmem:s14+$0xC7F0];
	[tilespmem:s1+$0x12B90] =	vst v59  }
0x168: {  	(v2sf) =	vpush v53, $0xF;
	v23 =	vadd.f32 v63, v28;
	v63 =	vmul.f32 v54, v44;
	v62 =	vld [tilespmem:s14+$0xC7E0]  }
0x169: {  	v34 =	vsub.f32 v26, v27;
	v26 =	vadd.f32 v47, v50;
	v12 =	vmul.f32 v16, v60;
	v56 =	vld [tilespmem:s14+$0xC7D0];
	v61, _, _ =	vpop (xrf2)  }
0x16a: {  	v28 =	vadd.f32 v43, v58;
	v36 =	vsub.f32 v35, v27;
	v58 =	vmul.f32 v54, v63;
	v57, _, _ =	vpop (xrf2)  }
0x16b: {  	v50 =	vmul.f32 v26, v26;
	v12 =	vsub.f32 $1.500000000e+00, v12;
	(v2sf) =	vpush v57, $0xF  }
0x16c: {  	v60 =	vsub.f32 $1.500000000e+00, v58;
	v58 =	vmul.f32 v28, v28;
	(v2sf) =	vpush v61, $0xF  }
0x16d: {  	v49 =	vmul.f32 v16, v12;
	v16 =	vadd.f32 v48, v21;
	v21 =	vadd.f32 v37, v39  }
0x16e: {  	v59 =	vmul.f32 v23, v23;
	v12 =	vadd.f32 v38, v62;
	v15 =	vadd.f32 v15, v56  }
0x16f: {  	v62 =	vld [tilespmem:s14+$0xC800];
	v39 =	vmul.f32 v54, v60;
	v60 =	vadd.f32 v50, v58;
	v61 =	vmul.f32 v49, v52  }
0x170: {  	v57, _, _ =	vpop (xrf2);
	v40 =	vmul.f32 v16, v16;
	v43 =	vadd.f32 v21, v23;
	v63 =	vmul.f32 v21, v21  }
0x171: {  	(v2sf) =	vpush v57, $0xF;
	v41 =	vadd.f32 v12, v15;
	v37 =	vmul.f32 v61, v49  }
0x172: {  	v56 =	vmul.f32 v15, v15;
	v44 =	vmul.f32 v39, v44;
	v38 =	vadd.f32 v63, v59  }
0x173: {  	v59 =	vadd.f32 v26, v28;
	v61 =	vmul.f32 v12, v12;
	v37 =	vsub.f32 $1.500000000e+00, v37  }
0x174: {  	v35 =	vadd.f32 v46, v62;
	v62 =	vmul.f32 v44, v39;
	v63 =	vadd.f32 v38, v60  }
0x175: {  	v38 =	vadd.f32 v42, v5;
	v47 =	vadd.f32 v43, v59;
	v44 =	vmul.f32 v37, v49  }
0x176: {  	v43 =	vadd.f32 v61, v56;
	v49 =	vmul.f32 v18, v18;
	v48 =	vadd.f32 v35, v16  }
0x177: {  	s17 =	simm.s32 $0x9C0;
	(xrf2) =	vadd.scan.msk.f32 $0xffff, v63;
	s20 =	spop (v2sf);
	v46 =	vsub.f32 $1.500000000e+00, v62;
	v42 =	vmul.f32 v44, v45;
	v45 =	vmul.f32 v44, v51  }
.LBB2_5:
0x178: {  	v37 =	vmov v35;
	v49 =	vadd.f32 v49, v29;
	v29 =	vmov v40;
	s22 =	smov.u32 s17  }
0x179: {  	s19 =	sshra.s32 s17, $0x2;
	s20 =	smul.f32 $1.562500000e-02, s20;
	[tilespmem:s1+$0x12BA0] =	vst v38;
	v38 =	vmul.f32 v44, v25;
	v44 =	vmul.f32 v44, v22;
	v22 =	vmovc v34;
	v25 =	vmov v36;
	s22 =	sadd.s32 $0x200, s17  }
0x17a: {  	p0 =	sne.s32 s17, $0xC7C0;
	s15 =	smul.f32 s15, s15;
	v34 =	vadd.f32 v48, v41;
	v36 =	vmul.f32 v46, v39;
	v39 =	vmul.f32 v45, v1;
	v35 =	vld [tilespmem:s19+$0x63E0];
	s17 =	spop (v2sf)  }
0x17b: {  	v42 =	vmul.f32 v42, v2;
	v41 =	vadd.f32 v49, v32;
	v40 =	vld [tilespmem:s19+$0x63C0];
	(xrf2) =	vadd.scan.msk.f32 $0xffff, v47;
	s8 =	spop (v2sf);
	s17 =	smul.f32 $1.562500000e-02, s17;
	v38 =	vmul.f32 v38, v0  }
0x17c: {  	v32 =	vmovc v43;
	v30 =	vmul.f32 v36, v30;
	v39 =	vadd.f32 v39, v5;
	v44 =	vmul.f32 v44, v3;
	v45 =	vld [tilespmem:s19+$0x63A0];
	s8 =	smul.f32 $1.562500000e-02, s8  }
0x17d: {  	v31 =	vmul.f32 v36, v31;
	v33 =	vmul.f32 v36, v33;
	v43 =	vld [tilespmem:s19+$0x63F0];
	s15 =	ssub.f32 s17, s15;
	v38 =	vadd.f32 v38, v4  }
0x17e: {  	v44 =	vadd.f32 v44, v7;
	v46 =	vld [tilespmem:s19+$0x63B0];
	s17 =	smul.f32 s8, s8;
	v47 =	vmov s8;
	(xrf2) =	vadd.scan.msk.f32 $0xffff, v41;
	v41 =	vmul.f32 v30, v0  }
0x17f: {  	v52 =	vmul.f32 v31, v2;
	v48 =	vld [tilespmem:s19+$0x6390];
	v30 =	vsub.f32 v19, v47;
	s8 =	sadd.f32 $9.999999960e-13, s15;
	[tilespmem:s1+$0x12BD0] =	vst v38;
	v38 =	vadd.f32 v42, v6  }
0x180: {  	v53 =	vmul.f32 v33, v3;
	v49 =	vsub.f32 v17, v47;
	v42 =	vld [tilespmem:s19+$0xC7C0];
	s15 =	ssub.f32 s20, s17;
	v41 =	vadd.f32 v41, v4;
	[tilespmem:s1+$0x12C00] =	vst v44  }
0x181: {  	v31 =	vsub.f32 v14, v47;
	v50 =	vadd.f32 v52, v6;
	v14 =	vmovc v23;
	v19 =	vmovc v28;
	v44 =	vld [tilespmem:s19+$0xC7B0];
	v51 =	vmov s8;
	[tilespmem:s1+$0x12BF0] =	vst v38  }
0x182: {  	v33 =	vsub.f32 v20, v47;
	v38 =	vld [tilespmem:s19+$0x6400];
	v28, _, _ =	vpop (xrf2);
	s8 =	sadd.f32 $9.999999960e-13, s15;
	s15 =	spop (v2sf);
	v20 =	vshrl.u32 v51, $0x1;
	v47 =	vmul.f32 $5.000000000e-01, v51;
	[tilespmem:s1+$0x12BE0] =	vst v39;
	s1 =	smov.u32 s3  }
0x183: {  	v23 =	vadd.f32 v53, v7;
	v52 =	vsub.f32 v11, v27;
	v17 =	vmovc v26;
	s3 =	smov.u32 s13;
	s13 =	smov.u32 s14;
	v39 =	vld [tilespmem:s19+$0xC790];
	(xrf2) =	vadd.scan.msk.f32 $0xffff, v34;
	s15 =	smul.f32 $1.562500000e-02, s15;
	v51 =	vsub.s32 $0x5F3759DF, v20  }
0x184: {  	s14 =	smov.u32 s19;
	v26 =	vld [tilespmem:s19+$0xC7A0];
	v11 =	vmov s8;
	[tilespmem:s1+$0x12BB0] =	vst v50;
	v55 =	vmul.f32 v51, v47;
	v50 =	vsub.f32 v10, v27;
	v10 =	vmovc v8;
	v8 =	vmovc v16  }
0x185: {  	v53 =	vld [tilespmem:s14+$0x63D0];
	v16, _, _ =	vpop (xrf2);
	v34 =	vshrl.u32 v11, $0x1;
	v54 =	vmul.f32 $5.000000000e-01, v11;
	v27 =	vmov s15;
	[tilespmem:s1+$0x12BC0] =	vst v23  }
0x186: {  	v20 =	vmovc v21;
	v23 =	vadd.f32 v46, v44;
	v44 =	vld [tilespmem:s14+$0xC7F0];
	v46 =	vsub.s32 $0x5F3759DF, v34;
	[tilespmem:s1+$0x12B90] =	vst v41;
	v41 =	vmul.f32 v51, v55  }
0x187: {  	v34 =	vsub.f32 v18, v27;
	v55 =	vld [tilespmem:s14+$0xC7E0];
	(v2sf) =	vpush v28, $0xF;
	v21 =	vmul.f32 v46, v54;
	v11 =	vmovc v9;
	v9 =	vmovc v12  }
0x188: {  	v28 =	vadd.f32 v48, v39;
	v39 =	vld [tilespmem:s14+$0xC7D0];
	v12, _, _ =	vpop (xrf2);
	v48 =	vmul.f32 v36, v24;
	v36 =	vsub.f32 $1.500000000e+00, v41  }
0x189: {  	v18 =	vmovc v37;
	v24 =	vmovc v49;
	v26 =	vadd.f32 v45, v26;
	v45 =	vld [tilespmem:s14+$0xC800];
	v21 =	vmul.f32 v46, v21;
	(v2sf) =	vpush v12, $0xF  }
0x18a: {  	v49 =	vmul.f32 v23, v23;
	(v2sf) =	vpush v16, $0xF;
	v51 =	vmul.f32 v51, v36  }
0x18b: {  	v56 =	vmul.f32 v26, v26;
	v16 =	vadd.f32 v43, v44;
	v43 =	vsub.f32 $1.500000000e+00, v21  }
0x18c: {  	v21 =	vadd.f32 v40, v42;
	v12 =	vadd.f32 v35, v55;
	v35 =	vmul.f32 v51, v47  }
0x18d: {  	v36 =	vsub.f32 v13, v27;
	v42 =	vadd.f32 v53, v39;
	v40 =	vmul.f32 v16, v16;
	v44, _, _ =	vpop (xrf2)  }
0x18e: {  	v13 =	vmovc v15;
	v47 =	vadd.f32 v21, v23;
	v53 =	vmul.f32 v21, v21;
	v35 =	vmul.f32 v35, v51  }
0x18f: {  	v39 =	vmul.f32 v46, v43;
	v41 =	vadd.f32 v12, v42;
	v55 =	vmul.f32 v42, v42;
	v15 =	vmovc v42  }
0x190: {  	v42 =	vmul.f32 v28, v28;
	v43 =	vadd.f32 v53, v49;
	v46 =	vsub.f32 $1.500000000e+00, v35  }
0x191: {  	v53 =	vadd.f32 v26, v28;
	(v2sf) =	vpush v44, $0xF;
	v44 =	vmul.f32 v39, v54  }
.Ltmp3:
0x192: {  	v48 =	vmul.f32 v48, v1;
	v42 =	vadd.f32 v56, v42;
	v54 =	vmul.f32 v12, v12;
	(pc) =	sbr.rel @p0 .LBB2_5-.Ltmp3, $4  }
0x193: {  	v35 =	vadd.f32 v38, v45;
	v45 =	vmul.f32 v44, v39;
	v44 =	vmul.f32 v46, v51  }
0x194: {  	v49 =	vmul.f32 v37, v18;
	v38 =	vadd.f32 v48, v5;
	v46 =	vadd.f32 v43, v42  }
0x195: {  	v47 =	vadd.f32 v47, v53;
	v43 =	vadd.f32 v54, v55;
	v42 =	vmul.f32 v44, v50  }
0x196: {  	s17 =	smov.u32 s22;
	v48 =	vadd.f32 v35, v16;
	(xrf2) =	vadd.scan.msk.f32 $0xffff, v46;
	s20 =	spop (v2sf);
	v46 =	vsub.f32 $1.500000000e+00, v45;
	v45 =	vmul.f32 v44, v52  }
0x197: {  	v29 =	vadd.f32 v49, v29;
	_ =	sdelay $0x1  }
0x198: {  	v29 =	vadd.f32 v29, v32  }
0x199: {  	(xrf2) =	vadd.scan.msk.f32 $0xffff, v47  }
0x19a: {  	(xrf2) =	vadd.scan.msk.f32 $0xffff, v29;
	_ =	sdelay $0x2  }
0x19b: {  	v47 =	vmul.f32 v35, v35;
	_ =	sdelay $0x1  }
0x19c: {  	s8 =	smul.f32 s15, s15;
	s19 =	spop (v2sf);
	v29 =	vadd.f32 v47, v40  }
0x19d: {  	v49 =	vadd.f32 v48, v41;
	s15 =	smul.f32 $1.562500000e-02, s19  }
0x19e: {  	s17 =	spop (v2sf);
	v29 =	vadd.f32 v29, v43  }
0x19f: {  	s17 =	smul.f32 $1.562500000e-02, s17;
	s8 =	ssub.f32 s15, s8;
	v37, _, _ =	vpop (xrf2);
	(xrf2) =	vadd.scan.msk.f32 $0xffff, v49  }
0x1a0: {  	s22 =	smul.f32 $1.562500000e-02, s20;
	v50, _, _ =	vpop (xrf2);
	(xrf2) =	vadd.scan.msk.f32 $0xffff, v29  }
0x1a1: {  	s19 =	smul.f32 s17, s17;
	s8 =	sadd.f32 $9.999999960e-13, s8;
	(v2sf) =	vpush v37, $0xF;
	v51, _, _ =	vpop (xrf2)  }
0x1a2: {  	v25 =	vmul.f32 v44, v25;
	(v2sf) =	vpush v51, $0xF  }
0x1a3: {  	v22 =	vmul.f32 v44, v22;
	v56 =	vmul.f32 v42, v2;
	s15 =	ssub.f32 s22, s19;
	v53 =	vmov s8  }
0x1a4: {  	v11 =	vsub.f32 v11, v27;
	v55 =	vshrl.u32 v53, $0x1;
	v37 =	vmul.f32 $5.000000000e-01, v53  }
0x1a5: {  	v52 =	vmul.f32 v46, v39;
	s15 =	sadd.f32 $9.999999960e-13, s15;
	v39 =	vsub.s32 $0x5F3759DF, v55;
	(v2sf) =	vpush v50, $0xF  }
0x1a6: {  	v10 =	vsub.f32 v10, v27;
	v54 =	vmul.f32 v45, v1;
	v57 =	vmul.f32 v39, v37  }
0x1a7: {  	v25 =	vmul.f32 v25, v0;
	v22 =	vmul.f32 v22, v3;
	v58 =	vmov s15  }
0x1a8: {  	v59 =	vshrl.u32 v58, $0x1;
	v42 =	vmul.f32 $5.000000000e-01, v58;
	v41 =	vmul.f32 v39, v57  }
0x1a9: {  	v30 =	vmul.f32 v52, v30;
	v32 =	vadd.f32 v54, v5;
	v43 =	vsub.s32 $0x5F3759DF, v59;
	v60, _, _ =	vpop (xrf2)  }
0x1aa: {  	v61 =	vmul.f32 v43, v42;
	v41 =	vsub.f32 $1.500000000e+00, v41;
	(v2sf) =	vpush v60, $0xF;
	v63, _, _ =	vpop (xrf2)  }
0x1ab: {  	v31 =	vmul.f32 v52, v31;
	v33 =	vmul.f32 v52, v33;
	(v2sf) =	vpush v63, $0xF  }
0x1ac: {  	v25 =	vadd.f32 v25, v4;
	v44 =	vmul.f32 v43, v61;
	v39 =	vmul.f32 v39, v41  }
0x1ad: {  	v24 =	vmul.f32 v52, v24;
	v22 =	vadd.f32 v22, v7;
	v40 =	vadd.f32 v56, v6  }
0x1ae: {  	v62 =	vmov s17;
	s19 =	spop (v2sf);
	v46 =	vsub.f32 $1.500000000e+00, v44;
	v37 =	vmul.f32 v39, v37  }
0x1af: {  	v30 =	vmul.f32 v30, v0;
	v31 =	vmul.f32 v31, v2;
	v19 =	vsub.f32 v19, v62;
	s8 =	smul.f32 $1.562500000e-02, s19  }
0x1b0: {  	v17 =	vsub.f32 v17, v62;
	v41 =	vmul.f32 v43, v46;
	v37 =	vmul.f32 v37, v39;
	s15 =	spop (v2sf)  }
0x1b1: {  	v33 =	vmul.f32 v33, v3;
	v14 =	vsub.f32 v14, v62;
	v20 =	vsub.f32 v20, v62;
	s17 =	smul.f32 s8, s8;
	s20 =	spop (v2sf)  }
0x1b2: {  	v30 =	vadd.f32 v30, v4;
	v42 =	vmul.f32 v41, v42;
	v37 =	vsub.f32 $1.500000000e+00, v37;
	s19 =	smul.f32 $1.562500000e-02, s20  }
0x1b3: {  	v24 =	vmul.f32 v24, v1;
	v31 =	vadd.f32 v31, v6;
	v33 =	vadd.f32 v33, v7  }
0x1b4: {  	v27 =	vmov s8;
	v47 =	vmul.f32 v42, v41;
	v37 =	vmul.f32 v37, v39;
	s22 =	spop (v2sf);
	s17 =	ssub.f32 s19, s17  }
0x1b5: {  	v24 =	vadd.f32 v24, v5;
	v18 =	vsub.f32 v18, v27;
	s19 =	smul.f32 $1.562500000e-02, s22  }
0x1b6: {  	v29 =	vsub.f32 $1.500000000e+00, v47;
	v10 =	vmul.f32 v37, v10;
	v11 =	vmul.f32 v37, v11;
	s20 =	smul.f32 $1.562500000e-02, s15;
	s17 =	sadd.f32 $9.999999960e-13, s17  }
0x1b7: {  	v13 =	vsub.f32 v13, v27;
	v36 =	vmul.f32 v37, v36;
	v34 =	vmul.f32 v37, v34;
	s22 =	smul.f32 s19, s19  }
0x1b8: {  	v29 =	vmul.f32 v29, v41;
	v11 =	vmul.f32 v11, v1;
	v48 =	vmov s17  }
0x1b9: {  	v36 =	vmul.f32 v36, v0;
	s8 =	ssub.f32 s20, s22;
	s20 =	spop (v2sf);
	v49 =	vshrl.u32 v48, $0x1;
	v37 =	vmul.f32 $5.000000000e-01, v48  }
0x1ba: {  	v10 =	vmul.f32 v10, v2;
	v19 =	vmul.f32 v29, v19;
	s15 =	smul.f32 $1.562500000e-02, s20;
	s20 =	spop (v2sf);
	v39 =	vsub.s32 $0x5F3759DF, v49  }
0x1bb: {  	v9 =	vsub.f32 v9, v27;
	v34 =	vmul.f32 v34, v3;
	s8 =	sadd.f32 $9.999999960e-13, s8;
	s17 =	smul.f32 $1.562500000e-02, s20;
	v50 =	vmul.f32 v39, v37  }
0x1bc: {  	v8 =	vsub.f32 v8, v27;
	v14 =	vmul.f32 v29, v14;
	v20 =	vmul.f32 v29, v20;
	s22 =	smul.f32 s15, s15  }
0x1bd: {  	v17 =	vmul.f32 v29, v17;
	v51 =	vmov s8;
	v41 =	vmul.f32 v39, v50  }
0x1be: {  	v11 =	vadd.f32 v11, v5;
	v52 =	vshrl.u32 v51, $0x1;
	v42 =	vmul.f32 $5.000000000e-01, v51;
	s8 =	ssub.f32 s17, s22  }
0x1bf: {  	v19 =	vmul.f32 v19, v0;
	v43 =	vsub.s32 $0x5F3759DF, v52;
	v41 =	vsub.f32 $1.500000000e+00, v41  }
0x1c0: {  	v36 =	vadd.f32 v36, v4;
	v14 =	vmul.f32 v14, v2;
	v53 =	vmul.f32 v43, v42;
	s8 =	sadd.f32 $9.999999960e-13, s8  }
0x1c1: {  	v34 =	vadd.f32 v34, v7;
	v20 =	vmul.f32 v20, v3;
	v39 =	vmul.f32 v39, v41  }
0x1c2: {  	[tilespmem:s1+$0x12BA0] =	vst v38;
	v54 =	vmov s19;
	v44 =	vmul.f32 v43, v53;
	v56 =	vmov s8  }
0x1c3: {  	[tilespmem:s1+$0x12BE0] =	vst v32;
	v58 =	vshrl.u32 v56, $0x1;
	v41 =	vmul.f32 $5.000000000e-01, v56;
	v37 =	vmul.f32 v39, v37  }
0x1c4: {  	[tilespmem:s1+$0x12BD0] =	vst v25;
	v57 =	vsub.f32 v26, v54;
	v55 =	vsub.f32 $1.500000000e+00, v44;
	v26 =	vsub.s32 $0x5F3759DF, v58  }
0x1c5: {  	[tilespmem:s1+$0x12C00] =	vst v22;
	v10 =	vadd.f32 v10, v6;
	v61 =	vmul.f32 v26, v41;
	v59 =	vmul.f32 v37, v39  }
0x1c6: {  	[tilespmem:s1+$0x12BF0] =	vst v40;
	v17 =	vmul.f32 v17, v1;
	v19 =	vadd.f32 v19, v4;
	v60 =	vmul.f32 v43, v55  }
0x1c7: {  	[tilespmem:s3+$0x12BB0] =	vst v31;
	v14 =	vadd.f32 v14, v6;
	v63 =	vmul.f32 v26, v61;
	v22 =	vsub.f32 $1.500000000e+00, v59  }
0x1c8: {  	[tilespmem:s3+$0x12BC0] =	vst v33;
	v20 =	vadd.f32 v20, v7;
	v17 =	vadd.f32 v17, v5;
	v62 =	vmul.f32 v60, v42  }
0x1c9: {  	[tilespmem:s3+$0x12B90] =	vst v30;
	v28 =	vsub.f32 v28, v54;
	v29 =	vsub.f32 $1.500000000e+00, v63;
	v22 =	vmul.f32 v22, v39  }
0x1ca: {  	[tilespmem:s3+$0x12BA0] =	vst v24;
	v23 =	vsub.f32 v23, v54;
	v21 =	vsub.f32 v21, v54;
	v33 =	vmul.f32 v62, v60  }
0x1cb: {  	[tilespmem:s3+$0x12BD0] =	vst v36;
	v40 =	vmov s15;
	v26 =	vmul.f32 v26, v29;
	v8 =	vmul.f32 v22, v8  }
0x1cc: {  	[tilespmem:s3+$0x12C00] =	vst v34;
	v38 =	vsub.f32 $1.500000000e+00, v33;
	v9 =	vmul.f32 v22, v9;
	v13 =	vmul.f32 v22, v13  }
0x1cd: {  	[tilespmem:s3+$0x12BF0] =	vst v10;
	v56 =	vsub.f32 v12, v40;
	v18 =	vmul.f32 v22, v18;
	v42 =	vmul.f32 v26, v41  }
0x1ce: {  	[tilespmem:s3+$0x12BE0] =	vst v11;
	v44 =	vsub.f32 v15, v40;
	v39 =	vmul.f32 v38, v60;
	v9 =	vmul.f32 v9, v1  }
0x1cf: {  	[tilespmem:s13+$0x12BB0] =	vst v14;
	v43 =	vsub.f32 v35, v40;
	v13 =	vmul.f32 v13, v0;
	v24 =	vmul.f32 v42, v26  }
0x1d0: {  	[tilespmem:s13+$0x12BC0] =	vst v20;
	v55 =	vsub.f32 v16, v40;
	v8 =	vmul.f32 v8, v2;
	v18 =	vmul.f32 v18, v3  }
0x1d1: {  	[tilespmem:s13+$0x12B90] =	vst v19;
	v46 =	vmul.f32 v39, v23;
	v13 =	vadd.f32 v13, v4;
	v48 =	vsub.f32 $1.500000000e+00, v24  }
0x1d2: {  	[tilespmem:s13+$0x12BA0] =	vst v17;
	v45 =	vmul.f32 v39, v28;
	v47 =	vmul.f32 v39, v21;
	v49 =	vadd.f32 v18, v7  }
0x1d3: {  	v8 =	vadd.f32 v8, v6;
	v50 =	vmul.f32 v46, v2;
	[tilespmem:s13+$0x12BD0] =	vst v13;
	v52 =	vmul.f32 v48, v26  }
0x1d4: {  	v9 =	vadd.f32 v9, v5;
	v54 =	vmul.f32 v39, v57;
	v51 =	vmul.f32 v47, v3;
	[tilespmem:s13+$0x12C00] =	vst v49  }
0x1d5: {  	v15 =	vmul.f32 v45, v0;
	[tilespmem:s13+$0x12BF0] =	vst v8;
	v53 =	vadd.f32 v50, v6;
	v14 =	vmul.f32 v52, v44  }
0x1d6: {  	[tilespmem:s13+$0x12BE0] =	vst v9;
	v57 =	vmul.f32 v54, v1;
	v8 =	vadd.f32 v51, v7;
	v11 =	vmul.f32 v52, v43  }
0x1d7: {  	v58 =	vadd.f32 v15, v4;
	v13 =	vmul.f32 v52, v55;
	[tilespmem:s14+$0x12BB0] =	vst v53;
	v14 =	vmul.f32 v14, v0  }
0x1d8: {  	v9 =	vmul.f32 v52, v56;
	[tilespmem:s14+$0x12BC0] =	vst v8;
	v8 =	vadd.f32 v57, v5;
	v59 =	vmul.f32 v11, v3  }
0x1d9: {  	[tilespmem:s14+$0x12B90] =	vst v58;
	v60 =	vmul.f32 v13, v2;
	v61 =	vadd.f32 v14, v4  }
0x1da: {  	[tilespmem:s14+$0x12BA0] =	vst v8;
	v8 =	vmul.f32 v9, v1;
	v62 =	vadd.f32 v59, v7  }
.Ltmp4:
0x1db: {  	s22 =	sadd.s32 s0, s10;
	v63 =	vadd.f32 v60, v6;
	[tilespmem:s14+$0x12BD0] =	vst v61;
	(pc) =	sbr.rel @p1 .LBB2_8-.Ltmp4, $4  }
0x1dc: {  	s1 =	sshll.u32 s22, $0x3;
	v8 =	vadd.f32 v8, v5;
	[tilespmem:s14+$0x12C00] =	vst v62  }
0x1dd: {  	s1 =	sand.u32 $0x1FFFFFC0, s1;
	[tilespmem:s14+$0x12BF0] =	vst v63  }
0x1de: {  	s1 =	sadd.s32 s4, s1;
	[tilespmem:s14+$0x12BE0] =	vst v8  }
0x1df: {  	[hbm4b:s1+s5] =	stream.linear.scatter [tilespmem:s28], [sflag:$0x4], $0x3200, $0x38;
	[tilespmem:$0x15E80] =	vst v63  }
.Ltmp5:
0x1e0: {  	(pc) =	sbr.rel .LBB2_2-.Ltmp5, $4  }
0x1e1: {  	s1 =	sadd.s32 $0x258, s0  }
0x1e2: {  	[tilespmem:s21], [sflag:$0x2] =	stream.indirect.gather [hbm4b:s7+s16], $0x40, s1, s16, $0xb8;
	[tilespmem:$0x15E80] =	vst v63  }
0x1e3: {  	s22 =	sadd.s32 $0x2D8, s0;
	s2 =	sadd.s32 $0x1, s2  }
0x1e4: {  	[tilespmem:s23], [sflag:$0x2] =	stream.indirect.gather [hbm4b:s7+s18], $0x40, s22, s18, $0xb8;
	[tilespmem:$0x15E80] =	vst v63  }
.LBB2_9:
0x1e5: {  	_ =	sfence.sel $0x180000  }
0x1e6: {  	[bflag:$0x0] =	sbarrier.arrive $0xFFFF  }
0x1e7: {  	_ =	strace $0x90000047  }
0x1e8: {  	s0 =	stileid.u32;
	[bflag:$0x2] =	sbarrier.arrive $0xFFFF  }
0x1e9: {  	p0 =	sne.s32 s0, $0x0;
	s0 =	rddreg [dreg:$0x4]  }
0x1ea: {  	s0 =	sadd.s32 @!p0 $0x100000, s0  }
0x1eb: {  	[sflag:s0] =	ssyncadd.tile.s32 @!p0 $0x1;
	_ =	shalt  }
.Lfunc_end2:
_tile_overlayer_lowered:
.L_overlay_start_2:
0x1ec: {  	(tag) =	ssettag $0x2  }
0x1ed: {  	s0 =	rddreg [dreg:$0x0];
	s2 =	stileid.u32  }
0x1ee: {  	s1 =	rddreg [dreg:$0x1];
	p0 =	sne.s32 s2, $0x0  }
0x1ef: {  	s3 =	rddreg [dreg:$0x2];
	[bflag:$0x3] =	sbarrier.arrive $0xFFFF;
	s2 =	simm.s32 @!p0 $0x1C05  }
0x1f0: {  	[timem:s3], [sflag:s2] =	dma.local @!p0 [hbm:s0], s1  }
0x1f1: {  	s0 =	simm.s32 @!p0 $0x5  }
0x1f2: {  	_ =	swait.ge @!p0 [sflag:s0], s1  }
0x1f3: {  	s1 =	ssub.s32 @!p0 $0x0, s1;
	[sflag:s0] =	ssyncset.done @!p0 $0x0  }
0x1f4: {  	[sflag:s0] =	ssyncadd.s32 @!p0 s1  }
0x1f5: {  	[bflag:$0x3] =	sbarrier.arrive $0xFFFF  }
0x1f6: {  	_ =	shalt  }

// kernel: sparse-core-data-format-call.cloned.1.call-start
scs
called_computation_lowered:
.L_overlay_start_0:
0x0: {  	s2 =	sld [smem:$0x3FD9]  }
0x1: {  	s3 =	sld [smem:$0x3FFE];
	_ =	sdelay $0x1  }
0x2: {  	s1 =	srdreg.scid  }
0x3: {  	s0 =	sand.u32 $0x1, s1  }
0x4: {  	s18 =	sshll.u32 s0, $0xA;
	s2 =	sadd.s32 s3, s2  }
0x5: {  	s2 =	sadd.s32 s2, s18  }
0x6: {  	[smem:$0x3FC3] =	sst s2  }
0x7: {  	_ = 	snop  }
0x8: {  	s2 =	sld [smem:$0x3FD0];
	(tm) =	ssettm $0x1  }
0x9: {  	s19 =	sld [smem:$0x3FFB];
	_ =	sdelay $0x3  }
0xa: {  	_ =	strace s19  }
0xb: {  	s3 =	sld [smem:$0x3FFC];
	_ =	sdelay $0x3  }
0xc: {  	_ =	strace s3  }
0xd: {  	s3 =	sld [smem:$0x3FFD];
	_ =	sdelay $0x3  }
0xe: {  	_ =	strace s3  }
0xf: {  	_ =	strace $0x8FFFFFFF  }
0x10: {  	s20 =	sld [smem:$0x3FDB];
	_ =	sdelay $0x1  }
0x11: {  	s4 =	simm.s32 $_scs_section_size  }
0x12: {  	s5 =	simm.s32 $_size__tile_overlayer_lowered;
	s6 =	simm.s32 $_tile_overlayer_lowered  }
0x13: {  	s23 =	simm.s32 $0x1BFF;
	s22 =	sshll.u32 s6, $0x1;
	s3 =	sadd.s32 s4, s20  }
0x14: {  	s7 =	simm.s32 $0x0;
	s21 =	sshll.u32 s5, $0x1;
	s5 =	sadd.s32 s22, s3  }
0x15: {  	[timem:s7], [sflag:s23] =	dma.local [hbm:s5], s21  }
0x16: {  	_ =	swait.ge [sflag:s23], s21  }
0x17: {  	s4 =	ssub.s32 $0x0, s21;
	[sflag:s23] =	ssyncset.done $0x0  }
0x18: {  	[sflag:s23] =	ssyncadd.s32 s4;
	_ =	sdelay $0x1  }
0x19: {  	s24 =	simm.s32 $0x1B8B  }
0x1a: {  	_ =	swait.ge [sflag:s24], $0x1  }
0x1b: {  	[sflag:s24] =	ssyncset.done $0x0  }
0x1c: {  	s26 =	simm.s32 $0x1B8E;
	s25 =	sld [smem:$0x3FFE];
	[sflag:s24] =	ssyncadd.s32 $0xFFFFFFFF  }
0x1d: {  	s27 =	simm.s32 $execute0_lowered;
	[smem:$0x3FD2] =	sst s26  }
0x1e: {  	s5 =	sshll.u32 s27, $0x1;
	_ =	strace $0x80000049;
	[dreg:$0x1] =	wrdreg $0xFFFFFFFF  }
0x1f: {  	s28 =	simm.s32 $_size_execute0_lowered;
	s3 =	sadd.s32 s3, s5;
	[dreg:$0x0] =	wrdreg $0x0  }
0x20: {  	s5 =	sshll.u32 s28, $0x1;
	[dreg:$0x2] =	wrdreg s3  }
0x21: {  	[dreg:$0x3] =	wrdreg s5  }
0x22: {  	[dreg:$0x4] =	wrdreg $0xC0  }
0x23: {  	_ =	task [dreg:s7], $0x5FFFF  }
0x24: {  	[dreg:$0x1] =	wrdreg $0xFFFFFFFF  }
0x25: {  	[dreg:$0x0] =	wrdreg $0x60  }
0x26: {  	[dreg:$0x2] =	wrdreg s25  }
0x27: {  	[dreg:$0x3] =	wrdreg s2  }
0x28: {  	[dreg:$0x4] =	wrdreg $0x9  }
0x29: {  	_ =	task.clear_ibuf [dreg:s7], $0x5FFFF;
	_ =	strace $0x90000049  }
0x2a: {  	s29 =	simm.s32 $0x9;
	_ =	strace $0x8000004B  }
0x2b: {  	_ =	swait.ge [sflag:s29], $0x1  }
0x2c: {  	[sflag:s29] =	ssyncadd.s32 $0xFFFFFFFF  }
0x2d: {  	_ =	strace $0x9000004B  }
0x2e: {  	_ =	sfence  }
0x2f: {  	s30 =	sld [smem:$0x0];
	_ =	sdelay $0x2  }
0x30: {  	s31 =	sshll.u32 s1, $0xD;
	s1 =	sshrl.u32 s1, $0x2  }
0x31: {  	s3 =	sand.u32 $0x4000, s31;
	s1 =	sadd.s32 s1, s30  }
0x32: {  	s0 =	sor.u32 s3, s0;
	s1 =	sshll.u32 s1, $0x11  }
0x33: {  	s0 =	sor.u32 s1, s0  }
0x34: {  	s0 =	sadd.s32 $0x8F2B, s0  }
0x35: {  	[sflag:s0] =	ssyncadd.remote.s32 $0x1  }
0x36: {  	_ =	sfence.sel $0xFFFF  }
0x37: {  	[dreg:$0x0] =	wrdreg $0xFFFFFFFF;
	(pc) =	sbr.abs _section_cstart, $3  }
0x38: {  	[dreg:$0x1] =	wrdreg $0xFFFFFFFF  }
0x39: {  	_ =	task.clear_ibuf [dreg:s7], $0x2FFFF;
	_ =	strace $0x9FFFFFFF  }
0x3a: {  	(tm) =	ssettm $0x7FFFFFFF  }
0x3b: {  	_ =	shalt  }
tec
execute0_lowered:
.L_overlay_start_1:
0x0: {  	(tag) =	ssettag $0x1  }
0x1: {  	s0 =	srdreg.scid  }
0x2: {  	s1 =	sshll.u32 s0, $0x4  }
0x3: {  	s0 =	stileid.u32;
	s1 =	sand.u32 $0x10, s1  }
0x4: {  	s1 =	sor.u32 s0, s1  }
0x5: {  	s6 =	rddreg [dreg:$0x0];
	s4 =	simm.s32 $0x1;
	s2 =	sshll.u32 s1, $0x7  }
0x6: {  	s7 =	simm.s32 $0x2;
	s12 =	simm.s32 $0x0;
	s1 =	ssub.s32 $0x1000, s2  }
0x7: {  	s8 =	simm.s32 $0x8000;
	s13 =	simm.s32 $0x0;
	s3 =	sand.u32 $0xF80, s1  }
0x8: {  	s9 =	simm.s32 $0x0;
	s5 =	sshrl.u32 s1, $0xC;
	p0 =	sne.s32 s3, $0x0  }
.Ltmp0:
0x9: {  	s1 =	rddreg [dreg:$0x2];
	s4 =	simm.s32 @!p0 $0x0;
	(pc) =	sbr.rel .LBB1_1-.Ltmp0, $4  }
0xa: {  	s11 =	simm.s32 $0x0;
	s3 =	rddreg [dreg:$0x1];
	s5 =	sadd.s32 s4, s5  }
0xb: {  	_ =	strace $0x8000004A;
	s4 =	simm.s32 $0x1;
	s5 =	smul.u32 $0xC8, s5  }
0xc: {  	s6 =	sadd.s32 $0xC00, s6;
	s10 =	smov.u32 s2;
	[sflag:s4] =	ssyncpa.u1 $0x0  }
0xd: {  	p0 =	por $0x0, $0x0;
	[sflag:s7] =	ssyncpa.u1 $0x0;
	s7 =	sor.u32 $0x1, s5  }
.LBB1_4:
0xe: {  	s16 =	sshll.u32 s13, $0x3;
	s17 =	sand.u32 $0x78, s13  }
0xf: {  	s30 =	sand.u32 $0x7E00, s13;
	s12 =	sshll.u32 s12, $0xF;
	s16 =	sand.u32 $0xC00, s16  }
0x10: {  	[tilespmem:s15+$0x810 ss:$0x81] =	vst.msk $0xffff, v2;
	s31 =	sand.u32 $0x7, s13;
	s16 =	sor.u32 s17, s16;
	s17 =	sadd.s32 s3, s30  }
0x11: {  	[tilespmem:s15+$0x1020 ss:$0x81] =	vst.msk $0xffff, v0;
	s13 =	sshll.u32 s31, $0x12;
	s12 =	sadd.s32 s12, s17;
	s16 =	sshrl.u32 s16, $0x3  }
0x12: {  	[tilespmem:s15+$0x0 ss:$0x81] =	vst.msk $0xffff, v1;
	s13 =	sor.u32 $0x400, s13;
	s12 =	sadd.s32 s16, s12  }
0x13: {  	[hbm4b:s12+s13] =	stream.strided.scatter [tilespmem:s14], [sflag:$0x2], $0x2000, s8, s13, $0x20;
	[tilespmem:$0x8080] =	vst v63  }
.LBB1_5:
0x14: {  	s14 =	sadd.s32 $0x1, s9  }
0x15: {  	s12 =	sadd.s32 $0x1000, s10;
	s16 =	smov.u32 s10;
	p2 =	sgt.s32 s14, $0xC7  }
0x16: {  	s16 =	smov.u32 @p2 s12  }
0x17: {  	s14 =	simm.s32 @p2 $0x0;
	p2 =	sgt.s32 s16, $0xFFF  }
0x18: {  	s16 =	smov.u32 @p2 s2;
	p2 =	sne.s32 s11, s7  }
.Ltmp1:
0x19: {  	p1 =	slt.u32 s11, $0x2;
	(pc) =	sbr.rel @!p2 .LBB1_6-.Ltmp1, $4  }
0x1a: {  	s15 =	simm.s32 @!p1 $0x2  }
0x1b: {  	s13 =	smov.u32 s10;
	p0 =	por !p0, !p0;
	_ =	swait.ge @!p1 [sflag:s15], $0x2000  }
0x1c: {  	s12 =	smov.u32 s9;
	[sflag:s15] =	ssyncset.done @!p1 $0x0;
	s9 =	smov.u32 s14  }
0x1d: {  	s11 =	sadd.s32 $0x1, s11;
	[sflag:s15] =	ssyncadd.s32 @!p1 $0xFFFFE000;
	s10 =	smov.u32 s16  }
.LBB1_1:
0x1e: {  	p1 =	sge.u32 s11, s5  }
0x1f: {  	s14 =	sand.u32 @!p1 $0x1FFFFFF, s9  }
0x20: {  	s15 =	smulhi.u32 @!p1 $0x147AE15, s14;
	_ =	sdelay $0x1  }
0x21: {  	s15 =	smul.u32 @!p1 $0xC8, s15  }
0x22: {  	s16 =	sxor.u32 @!p1 $0xFFFFFFFF, s11;
	s17 =	smul.u32 @!p1 $0xC80, s10  }
0x23: {  	s31 =	sadd.s32 $0xFFFFFFFF, s11;
	s16 =	sshll.u32 @!p1 s16, $0xD;
	s14 =	ssub.s32 @!p1 s14, s15  }
0x24: {  	s15 =	sand.u32 @!p1 $0x2000, s16;
	s16 =	sadd.s32 @!p1 s6, s17;
	s14 =	sshll.u32 @!p1 s14, $0x4  }
0x25: {  	s17 =	simm.s32 @!p1 $0x6400;
	s14 =	sadd.s32 @!p1 s14, s16;
	s16 =	simm.s32 @!p1 $0x40  }
0x26: {  	[tilespmem:s15], [sflag:$0x1] =	stream.strided.gather @!p1 [hbm4b:s14+s16], $0x2000, s17, s16, $0x38;
	[tilespmem:$0x8080] =	vst v63  }
0x27: {  	p1 =	sge.u32 s31, s5  }
.Ltmp2:
0x28: {  	_ = 	snop;
	(pc) =	sbr.rel @p1 .LBB1_5-.Ltmp2, $1  }
0x29: {  	_ =	sdelay $0x3  }
0x2a: {  	s14 =	simm.s32 $0x1  }
0x2b: {  	_ =	swait.ge [sflag:s4], $0x2000;
	s14 =	simm.s32 @!p0 $0x0  }
0x2c: {  	[sflag:s4] =	ssyncset.done $0x0;
	s15 =	sshll.u32 s14, $0xD  }
0x2d: {  	[sflag:s4] =	ssyncadd.s32 $0xFFFFE000;
	s18 =	sor.u32 $0x20, s15  }
0x2e: {  	s14 =	smul.u32 $0x8100, s14;
	v3 =	vld [tilespmem:s18+$0x10]  }
0x2f: {  	s30 =	sand.u32 $0x1, s11;
	v2 =	vld [tilespmem:s18+$0xFFFFFFF0]  }
0x30: {  	s15 =	smul.u32 $0x8100, s30;
	s14 =	sshrl.u32 s14, $0x2;
	v0 =	vld [tilespmem:s18+$0x0]  }
0x31: {  	v1 =	vld [tilespmem:s18+$0xFFFFFFE0];
	s16 =	sor.u32 $0x4000, s14  }
0x32: {  	s31 =	sshrl.u32 s15, $0x2;
	s15 =	sadd.s32 $0x0, s16  }
0x33: {  	s17 =	simm.s32 $0x4;
	s18 =	sadd.s32 $0x40, s18;
	s14 =	sor.u32 $0x4000, s31;
	[tilespmem:s15+$0x1830 ss:$0x81] =	vst.msk $0xffff, v3  }
.LBB1_3:
0x34: {  	v3 =	vld [tilespmem:s18+$0x10];
	p1 =	sne.s32 s17, $0x1FC;
	[tilespmem:s15+$0x810 ss:$0x81] =	vst.msk $0xffff, v2;
	s19 =	smov.u32 s17;
	s17 =	sadd.s32 $0x4, s17  }
.Ltmp3:
0x35: {  	v2 =	vld [tilespmem:s18+$0xFFFFFFF0];
	[tilespmem:s15+$0x1020 ss:$0x81] =	vst.msk $0xffff, v0;
	(pc) =	sbr.rel @p1 .LBB1_3-.Ltmp3, $4  }
0x36: {  	v0 =	vld [tilespmem:s18+$0x0];
	[tilespmem:s15+$0x0 ss:$0x81] =	vst.msk $0xffff, v1  }
0x37: {  	s15 =	sshra.s32 s19, $0x2;
	v1 =	vld [tilespmem:s18+$0xFFFFFFE0]  }
0x38: {  	s15 =	sadd.s32 s15, s16  }
0x39: {  	s18 =	sadd.s32 $0x40, s18;
	[tilespmem:s15+$0x1830 ss:$0x81] =	vst.msk $0xffff, v3  }
.Ltmp4:
0x3a: {  	_ = 	snop;
	(pc) =	sbr.rel .LBB1_4-.Ltmp4, $1  }
0x3b: {  	_ =	sdelay $0x3  }
.LBB1_6:
0x3c: {  	_ =	sfence.sel $0x180000  }
0x3d: {  	s2 =	simm.s32 $0x1;
	[bflag:$0x0] =	sbarrier.arrive $0xFFFF  }
0x3e: {  	s31 =	simm.s32 $0x2;
	[sflag:s2] =	ssyncpa.u1 $0x1  }
0x3f: {  	[sflag:s31] =	ssyncpa.u1 $0x1  }
0x40: {  	p0 =	sne.s32 s0, $0x0;
	_ =	strace $0x9000004A  }
0x41: {  	s0 =	sadd.s32 @!p0 $0x100000, s1;
	[bflag:$0x2] =	sbarrier.arrive $0xFFFF  }
0x42: {  	[sflag:s0] =	ssyncadd.tile.s32 @!p0 $0x1;
	_ =	shalt  }
.Lfunc_end1:
_tile_overlayer_lowered:
.L_overlay_start_2:
0x43: {  	(tag) =	ssettag $0x2  }
0x44: {  	s0 =	rddreg [dreg:$0x0];
	s2 =	stileid.u32  }
0x45: {  	s1 =	rddreg [dreg:$0x1];
	p0 =	sne.s32 s2, $0x0  }
0x46: {  	s3 =	rddreg [dreg:$0x2];
	[bflag:$0x3] =	sbarrier.arrive $0xFFFF;
	s2 =	simm.s32 @!p0 $0x1C01  }
0x47: {  	[timem:s3], [sflag:s2] =	dma.local @!p0 [hbm:s0], s1  }
0x48: {  	s0 =	simm.s32 @!p0 $0x1  }
0x49: {  	_ =	swait.ge @!p0 [sflag:s0], s1  }
0x4a: {  	s1 =	ssub.s32 @!p0 $0x0, s1;
	[sflag:s0] =	ssyncset.done @!p0 $0x0  }
0x4b: {  	[sflag:s0] =	ssyncadd.s32 @!p0 s1  }
0x4c: {  	[bflag:$0x3] =	sbarrier.arrive $0xFFFF  }
0x4d: {  	_ =	shalt  }

</sc_bundles>
